<compile_context>
chip_gen: v7x
topology: tpu7x:2x2x1
jax: 0.10.2.dev20260603
libtpu: 0.0.44.dev20260713+nightly
codegen_flags: <defaults>
</compile_context>

<pallas_src>
import functools

import jax
import jax.numpy as jnp
from jax import lax
from jax.experimental import pallas as pl
from jax.experimental.pallas import tpu as pltpu
from jax.experimental.pallas import tpu_sc as plsc

N = 10000
E = 320000
H = 128
G = 64
EPS = 1e-5

NC = 2
NS = 16
NP = 10240
RPT = NP // NS
CH = 80
EP = 322560
EPW = EP // (NC * NS)
NCH = EPW // CH
EPC = EP // NC

R = 2000
NB = N // R

@functools.cache
def _build_segsum():
    mesh = plsc.VectorSubcoreMesh(core_axis_name="c", subcore_axis_name="s",
                                  num_cores=NC, num_subcores=NS)

    @functools.partial(
        pl.kernel,
        out_type=jax.ShapeDtypeStruct((NC, NP, H), jnp.float32),
        mesh=mesh,
        scratch_types=[
            pltpu.VMEM((CH,), jnp.int32),
            pltpu.VMEM((CH,), jnp.int32),
            pltpu.VMEM((CH,), jnp.int32),
            pltpu.VMEM((CH,), jnp.int32),
            pltpu.VMEM((CH, H), jnp.float32),
            pltpu.VMEM((CH, H), jnp.float32),
            pltpu.VMEM_SHARED((NP, H), jnp.float32),
            pltpu.SemaphoreType.DMA,
            pltpu.SemaphoreType.DMA,
        ],
    )
    def _segsum_sc(src_hbm, dst_hbm, h_hbm, zeros_hbm, out_hbm,
                   is0, id0, is1, id1, rows0, rows1, agg_sh, sem0, sem1):
        c = lax.axis_index("c")
        s = lax.axis_index("s")
        pltpu.sync_copy(zeros_hbm, agg_sh.at[pl.ds(s * RPT, RPT)])
        plsc.subcore_barrier()
        base = (c * NS + s) * EPW

        pltpu.sync_copy(src_hbm.at[pl.ds(base, CH)], is0)
        pltpu.sync_copy(dst_hbm.at[pl.ds(base, CH)], id0)
        pltpu.async_copy(h_hbm.at[is0], rows0, sem0)

        def step(i, carry):
            off1 = base + (2 * i + 1) * CH
            pltpu.sync_copy(src_hbm.at[pl.ds(off1, CH)], is1)
            pltpu.sync_copy(dst_hbm.at[pl.ds(off1, CH)], id1)
            pltpu.async_copy(h_hbm.at[is1], rows1, sem1)
            pltpu.make_async_copy(h_hbm.at[is0], rows0, sem0).wait()
            pltpu.sync_copy(rows0, agg_sh.at[id0], add=True)

            @pl.when(i < NCH // 2 - 1)
            def _():
                off2 = base + (2 * i + 2) * CH
                pltpu.sync_copy(src_hbm.at[pl.ds(off2, CH)], is0)
                pltpu.sync_copy(dst_hbm.at[pl.ds(off2, CH)], id0)
                pltpu.async_copy(h_hbm.at[is0], rows0, sem0)

            pltpu.make_async_copy(h_hbm.at[is1], rows1, sem1).wait()
            pltpu.sync_copy(rows1, agg_sh.at[id1], add=True)
            return carry

        lax.fori_loop(0, NCH // 2, step, 0)
        plsc.subcore_barrier()
        pltpu.sync_copy(agg_sh.at[pl.ds(s * RPT, RPT)],
                        out_hbm.at[c, pl.ds(s * RPT, RPT)])

    return _segsum_sc


def _mm_body(h_ref, a0_ref, a1_ref, w1_ref, b1_ref, w2_ref, b2_ref,
             v_ref, sm_ref, sq_ref):
    t = h_ref[...] + a0_ref[0] + a1_ref[0]
    u = jnp.maximum(
        jnp.dot(t, w1_ref[...], preferred_element_type=jnp.float32)
        + b1_ref[...], 0.0)
    v = (jnp.dot(u, w2_ref[...], preferred_element_type=jnp.float32)
         + b2_ref[...])
    v_ref[...] = v

    @pl.when(pl.program_id(0) == 0)
    def _():
        sm_ref[...] = jnp.zeros_like(sm_ref)
        sq_ref[...] = jnp.zeros_like(sq_ref)

    sm_ref[...] += jnp.sum(v, axis=0, keepdims=True)
    sq_ref[...] += jnp.sum(v * v, axis=0, keepdims=True)


_mm_call = pl.pallas_call(
    _mm_body,
    grid=(NB,),
    in_specs=[
        pl.BlockSpec((R, H), lambda i: (i, 0)),
        pl.BlockSpec((1, R, H), lambda i: (0, i, 0)),
        pl.BlockSpec((1, R, H), lambda i: (1, i, 0)),
        pl.BlockSpec((H, H), lambda i: (0, 0)),
        pl.BlockSpec((1, H), lambda i: (0, 0)),
        pl.BlockSpec((H, H), lambda i: (0, 0)),
        pl.BlockSpec((1, H), lambda i: (0, 0)),
    ],
    out_specs=[
        pl.BlockSpec((R, H), lambda i: (i, 0)),
        pl.BlockSpec((1, H), lambda i: (0, 0)),
        pl.BlockSpec((1, H), lambda i: (0, 0)),
    ],
    out_shape=[
        jax.ShapeDtypeStruct((N, H), jnp.float32),
        jax.ShapeDtypeStruct((1, H), jnp.float32),
        jax.ShapeDtypeStruct((1, H), jnp.float32),
    ],
)


def _bnpool_body(v_ref, sm_ref, sq_ref, g_ref, bb_ref, bt_ref,
                 h_ref, pool_ref, cnt_ref):
    mean = sm_ref[...] / N
    var = sq_ref[...] / N - mean * mean
    scale = g_ref[...] * lax.rsqrt(var + EPS)
    hv = jnp.maximum((v_ref[...] - mean) * scale + bb_ref[...], 0.0)
    h_ref[...] = hv
    oh = (bt_ref[0] == lax.broadcasted_iota(jnp.int32, (G, R), 0)
          ).astype(jnp.float32)

    @pl.when(pl.program_id(0) == 0)
    def _():
        pool_ref[...] = jnp.zeros_like(pool_ref)
        cnt_ref[...] = jnp.zeros_like(cnt_ref)

    pool_ref[...] += jnp.dot(oh, hv, preferred_element_type=jnp.float32)
    cnt_ref[...] += jnp.broadcast_to(
        jnp.sum(oh, axis=1, keepdims=True), (G, H))


_bnpool_call = pl.pallas_call(
    _bnpool_body,
    grid=(NB,),
    in_specs=[
        pl.BlockSpec((R, H), lambda i: (i, 0)),
        pl.BlockSpec((1, H), lambda i: (0, 0)),
        pl.BlockSpec((1, H), lambda i: (0, 0)),
        pl.BlockSpec((1, H), lambda i: (0, 0)),
        pl.BlockSpec((1, H), lambda i: (0, 0)),
        pl.BlockSpec((1, 1, R), lambda i: (i, 0, 0)),
    ],
    out_specs=[
        pl.BlockSpec((R, H), lambda i: (i, 0)),
        pl.BlockSpec((G, H), lambda i: (0, 0)),
        pl.BlockSpec((G, H), lambda i: (0, 0)),
    ],
    out_shape=[
        jax.ShapeDtypeStruct((N, H), jnp.float32),
        jax.ShapeDtypeStruct((G, H), jnp.float32),
        jax.ShapeDtypeStruct((G, H), jnp.float32),
    ],
)


def _final_body(p1_ref, p2_ref, p3_ref, cnt_ref, w_ref, b_ref, out_ref):
    cnt = jnp.maximum(cnt_ref[...], 1.0)
    o = (jnp.dot(p1_ref[...] / cnt, w_ref[0],
                 preferred_element_type=jnp.float32)
         + jnp.dot(p2_ref[...] / cnt, w_ref[1],
                   preferred_element_type=jnp.float32)
         + jnp.dot(p3_ref[...] / cnt, w_ref[2],
                   preferred_element_type=jnp.float32)
         + b_ref[...])
    nrm = jnp.sqrt(jnp.sum(o * o, axis=1, keepdims=True))
    out_ref[...] = o / jnp.maximum(nrm, 1e-12)


_final_call = pl.pallas_call(
    _final_body,
    out_shape=jax.ShapeDtypeStruct((G, H), jnp.float32),
)


def _layer(h, ei, zeros, w1, b1, w2, b2, g, bb, batch3):
    agg = _build_segsum()(ei[0], ei[1], h, zeros)
    v, sm, sq = _mm_call(h, agg, agg, w1, b1.reshape(1, H),
                         w2, b2.reshape(1, H))
    return _bnpool_call(v, sm, sq, g.reshape(1, H), bb.reshape(1, H), batch3)


def kernel(x, edge_index, batch,
           conv1_W1, conv1_b1, conv1_W2, conv1_b2,
           conv2_W1, conv2_b1, conv2_W2, conv2_b2,
           conv3_W1, conv3_b1, conv3_W2, conv3_b2,
           bn1_g, bn1_b, bn2_g, bn2_b, bn3_g, bn3_b,
           lin_W, lin_b):
    npad = EP - E
    pad = jnp.stack([jnp.zeros((npad,), jnp.int32),
                     N + jax.lax.iota(jnp.int32, npad) % (NP - N)])
    ei = jnp.concatenate([edge_index.astype(jnp.int32), pad], axis=1)
    zeros = jnp.zeros((RPT, H), jnp.float32)
    batch3 = batch.astype(jnp.int32).reshape(NB, 1, R)

    h1, pool1, cnt = _layer(x, ei, zeros, conv1_W1, conv1_b1,
                            conv1_W2, conv1_b2, bn1_g, bn1_b, batch3)
    h2, pool2, _ = _layer(h1, ei, zeros, conv2_W1, conv2_b1,
                          conv2_W2, conv2_b2, bn2_g, bn2_b, batch3)
    _, pool3, _ = _layer(h2, ei, zeros, conv3_W1, conv3_b1,
                         conv3_W2, conv3_b2, bn3_g, bn3_b, batch3)

    wsplit = lin_W.reshape(3, H, H)
    return _final_call(pool1, pool2, pool3, cnt, wsplit,
                       lin_b.reshape(1, H))

# --- scband reference (transcript-rebuilt; emitter-appended) ---
"""Pipeline reference for scband-subgraph-encoder-49941879718343 (READ-ONLY COPY).

The authoritative reference and input builder live on the scoring server;
editing this copy changes nothing except your own understanding.
"""

import jax, jax.numpy as jnp
import numpy as np

N = 10000
E = 320000
D_IN = 128
H = 128
OUT = 128
G = 64
BN_EPS = 1e-5


def _linear_params(key, fan_in, fan_out):
    k1, k2 = jax.random.split(key)
    bound = 1.0 / np.sqrt(fan_in)
    W = jax.random.uniform(k1, (fan_in, fan_out), minval=-bound, maxval=bound, dtype=jnp.float32)
    b = jax.random.uniform(k2, (fan_out,), minval=-bound, maxval=bound, dtype=jnp.float32)
    return W, b


def setup_inputs(seed: int = 0):
    key = jax.random.key(seed)
    ks = jax.random.split(key, 12)
    inp = {}
    inp['x'] = jax.random.normal(ks[0], (N, D_IN), dtype=jnp.float32)
    inp['edge_index'] = jax.random.randint(ks[1], (2, E), 0, N)
    inp['batch'] = jnp.sort(jax.random.randint(ks[2], (N,), 0, G))
    inp['conv1_W1'], inp['conv1_b1'] = _linear_params(ks[3], D_IN, H)
    inp['conv1_W2'], inp['conv1_b2'] = _linear_params(ks[4], H, H)
    inp['conv2_W1'], inp['conv2_b1'] = _linear_params(ks[5], H, H)
    inp['conv2_W2'], inp['conv2_b2'] = _linear_params(ks[6], H, H)
    inp['conv3_W1'], inp['conv3_b1'] = _linear_params(ks[7], H, H)
    inp['conv3_W2'], inp['conv3_b2'] = _linear_params(ks[8], H, H)
    for i in (1, 2, 3):
        inp['bn%d_g' % i] = jnp.ones((H,), dtype=jnp.float32)
        inp['bn%d_b' % i] = jnp.zeros((H,), dtype=jnp.float32)
    inp['lin_W'], inp['lin_b'] = _linear_params(ks[9], 3 * H, OUT)
    return inp


def _gin_conv(x, src, dst, W1, b1, W2, b2):
    # GINConv (eps=0): nn((1+eps)*x + sum_{j in N(i)} x_j)
    agg = jax.ops.segment_sum(x[src], dst, num_segments=N)
    h = x + agg
    h = jax.nn.relu(h @ W1 + b1)
    return h @ W2 + b2


def _batchnorm(h, g, b):
    # training-mode BatchNorm1d with batch statistics (biased variance)
    mean = jnp.mean(h, axis=0)
    var = jnp.var(h, axis=0)
    return g * (h - mean) / jnp.sqrt(var + BN_EPS) + b


def _mean_pool(h, batch):
    sums = jax.ops.segment_sum(h, batch, num_segments=G)
    counts = jax.ops.segment_sum(jnp.ones((h.shape[0],), dtype=h.dtype), batch, num_segments=G)
    return sums / jnp.maximum(counts, 1.0)[:, None]


def reference(x, edge_index, batch, conv1_W1, conv1_b1, conv1_W2, conv1_b2, conv2_W1, conv2_b1, conv2_W2, conv2_b2, conv3_W1, conv3_b1, conv3_W2, conv3_b2, bn1_g, bn1_b, bn2_g, bn2_b, bn3_g, bn3_b, lin_W, lin_b):
    src, dst = edge_index[0], edge_index[1]
    h1 = jax.nn.relu(_batchnorm(_gin_conv(x, src, dst, conv1_W1, conv1_b1, conv1_W2, conv1_b2), bn1_g, bn1_b))
    h2 = jax.nn.relu(_batchnorm(_gin_conv(h1, src, dst, conv2_W1, conv2_b1, conv2_W2, conv2_b2), bn2_g, bn2_b))
    h3 = jax.nn.relu(_batchnorm(_gin_conv(h2, src, dst, conv3_W1, conv3_b1, conv3_W2, conv3_b2), bn3_g, bn3_b))
    h_final = jnp.concatenate([_mean_pool(h1, batch), _mean_pool(h2, batch), _mean_pool(h3, batch)], axis=1)
    out = h_final @ lin_W + lin_b
    norm = jnp.maximum(jnp.linalg.norm(out, axis=1, keepdims=True), 1e-12)
    return out / norm

if __name__ == "__main__":
    import jax
    _d = setup_inputs()
    print(jax.jit(kernel)(*tuple(_d.values())))

</pallas_src>

<mosaic_0001>
#map = affine_map<(d0, d1) -> (0)>
#map1 = affine_map<(d0, d1) -> (0, 0)>
#map2 = affine_map<(d0, d1) -> (0, 0, 0)>
module attributes {stable_mosaic.version = 14 : i64} {
  func.func @_segsum_sc(%arg0: i32, %arg1: i32, %arg2: memref<322560xi32, #tpu.memory_space<hbm>>, %arg3: memref<322560xi32, #tpu.memory_space<hbm>>, %arg4: memref<10000x128xf32, #tpu.memory_space<hbm>>, %arg5: memref<640x128xf32, #tpu.memory_space<hbm>>, %arg6: memref<2x10240x128xf32, #tpu.memory_space<hbm>>, %arg7: memref<80xi32, #tpu.memory_space<vmem>>, %arg8: memref<80xi32, #tpu.memory_space<vmem>>, %arg9: memref<80xi32, #tpu.memory_space<vmem>>, %arg10: memref<80xi32, #tpu.memory_space<vmem>>, %arg11: memref<80x128xf32, #tpu.memory_space<vmem>>, %arg12: memref<80x128xf32, #tpu.memory_space<vmem>>, %arg13: memref<10240x128xf32, #tpu.memory_space<vmem_shared>>, %arg14: memref<!tpu.dma_semaphore, #tpu.memory_space<semaphore_mem>>, %arg15: memref<!tpu.dma_semaphore, #tpu.memory_space<semaphore_mem>>) attributes {dimension_semantics = [#tpu.dimension_semantics<core_parallel>, #tpu.dimension_semantics<subcore_parallel>], iteration_bounds = array<i64: 2, 16>, scalar_prefetch = 0 : i64, scratch_operands = 9 : i64, tpu.core_type = #tpu.core_type<sc_vector_subcore>, window_params = [{transform_indices = #map}, {transform_indices = #map}, {transform_indices = #map1}, {transform_indices = #map1}, {transform_indices = #map2}]} {
    %mul3A = arith.constant 640 : i32
    %mul3A_0 = arith.muli %arg1, %mul3A : i32
    "tpu.region"() ({
      %run_scoped3A = tpu.sem_alloc : memref<!tpu.dma_semaphore, #tpu.memory_space<semaphore_mem>>
      %dma_start3A_17 = arith.constant 0 : i32
      %dma_start3A_18 = tpu.memref_slice %arg13[%mul3A_0, %dma_start3A_17] : memref<10240x128xf32, #tpu.memory_space<vmem_shared>> -> memref<640x128xf32, #tpu.memory_space<vmem_shared>>
      tpu.enqueue_dma source(%arg5 : memref<640x128xf32, #tpu.memory_space<hbm>>) target(%dma_start3A_18 : memref<640x128xf32, #tpu.memory_space<vmem_shared>>) target_semaphore(%run_scoped3A : memref<!tpu.dma_semaphore, #tpu.memory_space<semaphore_mem>>)
      %dma_wait3A = arith.constant 0 : i32
      %dma_wait3A_19 = tpu.memref_slice %arg13[%mul3A_0, %dma_wait3A] : memref<10240x128xf32, #tpu.memory_space<vmem_shared>> -> memref<640x128xf32, #tpu.memory_space<vmem_shared>>
      tpu.wait_dma2 semaphore(%run_scoped3A : memref<!tpu.dma_semaphore, #tpu.memory_space<semaphore_mem>>) src(%arg5 : memref<640x128xf32, #tpu.memory_space<hbm>>) dst(%dma_wait3A_19 : memref<640x128xf32, #tpu.memory_space<vmem_shared>>)
      tpu.yield
    }) : () -> ()
    %barrier3A = arith.constant 0 : index
    tpu.barrier barrier_id(%barrier3A)
    %mul3A_1 = arith.constant 16 : i32
    %mul3A_2 = arith.muli %arg0, %mul3A_1 : i32
    %add3A = arith.addi %mul3A_2, %arg1 : i32
    %mul3A_3 = arith.constant 10080 : i32
    %mul3A_4 = arith.muli %add3A, %mul3A_3 : i32
    "tpu.region"() ({
      %run_scoped3A = tpu.sem_alloc : memref<!tpu.dma_semaphore, #tpu.memory_space<semaphore_mem>>
      %dma_start3A_17 = tpu.memref_slice %arg2[%mul3A_4] : memref<322560xi32, #tpu.memory_space<hbm>> -> memref<80xi32, #tpu.memory_space<hbm>>
      %dma_start3A_18 = tpu.memref_slice %arg2[%mul3A_4] : memref<322560xi32, #tpu.memory_space<hbm>> -> memref<80xi32, #tpu.memory_space<hbm>>
      tpu.enqueue_dma source(%dma_start3A_18 : memref<80xi32, #tpu.memory_space<hbm>>) target(%arg7 : memref<80xi32, #tpu.memory_space<vmem>>) target_semaphore(%run_scoped3A : memref<!tpu.dma_semaphore, #tpu.memory_space<semaphore_mem>>)
      %dma_wait3A = tpu.memref_slice %arg2[%mul3A_4] : memref<322560xi32, #tpu.memory_space<hbm>> -> memref<80xi32, #tpu.memory_space<hbm>>
      %dma_wait3A_19 = tpu.memref_slice %arg2[%mul3A_4] : memref<322560xi32, #tpu.memory_space<hbm>> -> memref<80xi32, #tpu.memory_space<hbm>>
      tpu.wait_dma2 semaphore(%run_scoped3A : memref<!tpu.dma_semaphore, #tpu.memory_space<semaphore_mem>>) src(%dma_wait3A_19 : memref<80xi32, #tpu.memory_space<hbm>>) dst(%arg7 : memref<80xi32, #tpu.memory_space<vmem>>)
      tpu.yield
    }) : () -> ()
    "tpu.region"() ({
      %run_scoped3A = tpu.sem_alloc : memref<!tpu.dma_semaphore, #tpu.memory_space<semaphore_mem>>
      %dma_start3A_17 = tpu.memref_slice %arg3[%mul3A_4] : memref<322560xi32, #tpu.memory_space<hbm>> -> memref<80xi32, #tpu.memory_space<hbm>>
      %dma_start3A_18 = tpu.memref_slice %arg3[%mul3A_4] : memref<322560xi32, #tpu.memory_space<hbm>> -> memref<80xi32, #tpu.memory_space<hbm>>
      tpu.enqueue_dma source(%dma_start3A_18 : memref<80xi32, #tpu.memory_space<hbm>>) target(%arg8 : memref<80xi32, #tpu.memory_space<vmem>>) target_semaphore(%run_scoped3A : memref<!tpu.dma_semaphore, #tpu.memory_space<semaphore_mem>>)
      %dma_wait3A = tpu.memref_slice %arg3[%mul3A_4] : memref<322560xi32, #tpu.memory_space<hbm>> -> memref<80xi32, #tpu.memory_space<hbm>>
      %dma_wait3A_19 = tpu.memref_slice %arg3[%mul3A_4] : memref<322560xi32, #tpu.memory_space<hbm>> -> memref<80xi32, #tpu.memory_space<hbm>>
      tpu.wait_dma2 semaphore(%run_scoped3A : memref<!tpu.dma_semaphore, #tpu.memory_space<semaphore_mem>>) src(%dma_wait3A_19 : memref<80xi32, #tpu.memory_space<hbm>>) dst(%arg8 : memref<80xi32, #tpu.memory_space<vmem>>)
      tpu.yield
    }) : () -> ()
    %dma_start3A = arith.constant 0 : i32
    %dma_start3A_5 = arith.constant 0 : i32
    %dma_start3A_6 = tpu.memref_slice %arg4[%dma_start3A, %dma_start3A_5] : memref<10000x128xf32, #tpu.memory_space<hbm>> -> memref<10000x128xf32, #tpu.memory_space<hbm>>
    tpu.enqueue_indirect_dma source(%dma_start3A_6 : memref<10000x128xf32, #tpu.memory_space<hbm>>) target(%arg11 : memref<80x128xf32, #tpu.memory_space<vmem>>) offsets(%arg7 : memref<80xi32, #tpu.memory_space<vmem>>) semaphore(%arg14 : memref<!tpu.dma_semaphore, #tpu.memory_space<semaphore_mem>>)
    %scan3A = arith.constant 0 : i32
    %scan3A_7 = arith.constant 0 : i32
    %scan3A_8 = arith.constant 63 : i32
    %scan3A_9 = arith.addi %scan3A_7, %scan3A_8 : i32
    %scan3A_10 = arith.constant 1 : i32
    scf.for %scan3A_17 = %scan3A_7 to %scan3A_9 step %scan3A_10  : i32 {
      %mul3A_18 = arith.constant 2 : i32
      %mul3A_19 = arith.muli %mul3A_18, %scan3A_17 : i32
      %add3A_20 = arith.constant 1 : i32
      %add3A_21 = arith.addi %mul3A_19, %add3A_20 : i32
      %mul3A_22 = arith.constant 80 : i32
      %mul3A_23 = arith.muli %add3A_21, %mul3A_22 : i32
      %add3A_24 = arith.addi %mul3A_4, %mul3A_23 : i32
      "tpu.region"() ({
        %run_scoped3A = tpu.sem_alloc : memref<!tpu.dma_semaphore, #tpu.memory_space<semaphore_mem>>
        %dma_start3A_35 = tpu.memref_slice %arg2[%add3A_24] : memref<322560xi32, #tpu.memory_space<hbm>> -> memref<80xi32, #tpu.memory_space<hbm>>
        %dma_start3A_36 = tpu.memref_slice %arg2[%add3A_24] : memref<322560xi32, #tpu.memory_space<hbm>> -> memref<80xi32, #tpu.memory_space<hbm>>
        tpu.enqueue_dma source(%dma_start3A_36 : memref<80xi32, #tpu.memory_space<hbm>>) target(%arg9 : memref<80xi32, #tpu.memory_space<vmem>>) target_semaphore(%run_scoped3A : memref<!tpu.dma_semaphore, #tpu.memory_space<semaphore_mem>>)
        %dma_wait3A_37 = tpu.memref_slice %arg2[%add3A_24] : memref<322560xi32, #tpu.memory_space<hbm>> -> memref<80xi32, #tpu.memory_space<hbm>>
        %dma_wait3A_38 = tpu.memref_slice %arg2[%add3A_24] : memref<322560xi32, #tpu.memory_space<hbm>> -> memref<80xi32, #tpu.memory_space<hbm>>
        tpu.wait_dma2 semaphore(%run_scoped3A : memref<!tpu.dma_semaphore, #tpu.memory_space<semaphore_mem>>) src(%dma_wait3A_38 : memref<80xi32, #tpu.memory_space<hbm>>) dst(%arg9 : memref<80xi32, #tpu.memory_space<vmem>>)
        tpu.yield
      }) : () -> ()
      "tpu.region"() ({
        %run_scoped3A = tpu.sem_alloc : memref<!tpu.dma_semaphore, #tpu.memory_space<semaphore_mem>>
        %dma_start3A_35 = tpu.memref_slice %arg3[%add3A_24] : memref<322560xi32, #tpu.memory_space<hbm>> -> memref<80xi32, #tpu.memory_space<hbm>>
        %dma_start3A_36 = tpu.memref_slice %arg3[%add3A_24] : memref<322560xi32, #tpu.memory_space<hbm>> -> memref<80xi32, #tpu.memory_space<hbm>>
        tpu.enqueue_dma source(%dma_start3A_36 : memref<80xi32, #tpu.memory_space<hbm>>) target(%arg10 : memref<80xi32, #tpu.memory_space<vmem>>) target_semaphore(%run_scoped3A : memref<!tpu.dma_semaphore, #tpu.memory_space<semaphore_mem>>)
        %dma_wait3A_37 = tpu.memref_slice %arg3[%add3A_24] : memref<322560xi32, #tpu.memory_space<hbm>> -> memref<80xi32, #tpu.memory_space<hbm>>
        %dma_wait3A_38 = tpu.memref_slice %arg3[%add3A_24] : memref<322560xi32, #tpu.memory_space<hbm>> -> memref<80xi32, #tpu.memory_space<hbm>>
        tpu.wait_dma2 semaphore(%run_scoped3A : memref<!tpu.dma_semaphore, #tpu.memory_space<semaphore_mem>>) src(%dma_wait3A_38 : memref<80xi32, #tpu.memory_space<hbm>>) dst(%arg10 : memref<80xi32, #tpu.memory_space<vmem>>)
        tpu.yield
      }) : () -> ()
      %dma_start3A_25 = arith.constant 0 : i32
      %dma_start3A_26 = arith.constant 0 : i32
      %dma_start3A_27 = tpu.memref_slice %arg4[%dma_start3A_25, %dma_start3A_26] : memref<10000x128xf32, #tpu.memory_space<hbm>> -> memref<10000x128xf32, #tpu.memory_space<hbm>>
      tpu.enqueue_indirect_dma source(%dma_start3A_27 : memref<10000x128xf32, #tpu.memory_space<hbm>>) target(%arg12 : memref<80x128xf32, #tpu.memory_space<vmem>>) offsets(%arg9 : memref<80xi32, #tpu.memory_space<vmem>>) semaphore(%arg15 : memref<!tpu.dma_semaphore, #tpu.memory_space<semaphore_mem>>)
      %dma_wait3A = arith.constant 0 : i32
      %dma_wait3A_28 = arith.constant 0 : i32
      %dma_wait3A_29 = tpu.memref_slice %arg4[%dma_wait3A, %dma_wait3A_28] : memref<10000x128xf32, #tpu.memory_space<hbm>> -> memref<10000x128xf32, #tpu.memory_space<hbm>>
      tpu.wait_indirect_dma semaphore(%arg14 : memref<!tpu.dma_semaphore, #tpu.memory_space<semaphore_mem>>) src(%dma_wait3A_29 : memref<10000x128xf32, #tpu.memory_space<hbm>>) dst(%arg11 : memref<80x128xf32, #tpu.memory_space<vmem>>)
      "tpu.region"() ({
        %run_scoped3A = tpu.sem_alloc : memref<!tpu.dma_semaphore, #tpu.memory_space<semaphore_mem>>
        %dma_start3A_35 = arith.constant 0 : i32
        %dma_start3A_36 = arith.constant 0 : i32
        %dma_start3A_37 = tpu.memref_slice %arg13[%dma_start3A_35, %dma_start3A_36] : memref<10240x128xf32, #tpu.memory_space<vmem_shared>> -> memref<10240x128xf32, #tpu.memory_space<vmem_shared>>
        tpu.enqueue_indirect_dma source(%arg11 : memref<80x128xf32, #tpu.memory_space<vmem>>) target(%dma_start3A_37 : memref<10240x128xf32, #tpu.memory_space<vmem_shared>>) offsets(%arg8 : memref<80xi32, #tpu.memory_space<vmem>>) semaphore(%run_scoped3A : memref<!tpu.dma_semaphore, #tpu.memory_space<semaphore_mem>>) {add = true}
        %dma_wait3A_38 = arith.constant 0 : i32
        %dma_wait3A_39 = arith.constant 0 : i32
        %dma_wait3A_40 = tpu.memref_slice %arg13[%dma_wait3A_38, %dma_wait3A_39] : memref<10240x128xf32, #tpu.memory_space<vmem_shared>> -> memref<10240x128xf32, #tpu.memory_space<vmem_shared>>
        tpu.wait_indirect_dma semaphore(%run_scoped3A : memref<!tpu.dma_semaphore, #tpu.memory_space<semaphore_mem>>) src(%arg11 : memref<80x128xf32, #tpu.memory_space<vmem>>) dst(%dma_wait3A_40 : memref<10240x128xf32, #tpu.memory_space<vmem_shared>>)
        tpu.yield
      }) : () -> ()
      %lt3A = arith.constant 62 : i32
      %lt3A_30 = arith.cmpi slt, %scan3A_17, %lt3A : i32
      %convert_element_type3A = arith.extui %lt3A_30 : i1 to i32
      %cond3A = arith.constant 0 : i32
      %cond3A_31 = arith.cmpi ne, %convert_element_type3A, %cond3A : i32
      scf.if %cond3A_31 {
        %mul3A_35 = arith.constant 2 : i32
        %mul3A_36 = arith.muli %mul3A_35, %scan3A_17 : i32
        %add3A_37 = arith.constant 2 : i32
        %add3A_38 = arith.addi %mul3A_36, %add3A_37 : i32
        %mul3A_39 = arith.constant 80 : i32
        %mul3A_40 = arith.muli %add3A_38, %mul3A_39 : i32
        %add3A_41 = arith.addi %mul3A_4, %mul3A_40 : i32
        "tpu.region"() ({
          %run_scoped3A = tpu.sem_alloc : memref<!tpu.dma_semaphore, #tpu.memory_space<semaphore_mem>>
          %dma_start3A_45 = tpu.memref_slice %arg2[%add3A_41] : memref<322560xi32, #tpu.memory_space<hbm>> -> memref<80xi32, #tpu.memory_space<hbm>>
          %dma_start3A_46 = tpu.memref_slice %arg2[%add3A_41] : memref<322560xi32, #tpu.memory_space<hbm>> -> memref<80xi32, #tpu.memory_space<hbm>>
          tpu.enqueue_dma source(%dma_start3A_46 : memref<80xi32, #tpu.memory_space<hbm>>) target(%arg7 : memref<80xi32, #tpu.memory_space<vmem>>) target_semaphore(%run_scoped3A : memref<!tpu.dma_semaphore, #tpu.memory_space<semaphore_mem>>)
          %dma_wait3A_47 = tpu.memref_slice %arg2[%add3A_41] : memref<322560xi32, #tpu.memory_space<hbm>> -> memref<80xi32, #tpu.memory_space<hbm>>
          %dma_wait3A_48 = tpu.memref_slice %arg2[%add3A_41] : memref<322560xi32, #tpu.memory_space<hbm>> -> memref<80xi32, #tpu.memory_space<hbm>>
          tpu.wait_dma2 semaphore(%run_scoped3A : memref<!tpu.dma_semaphore, #tpu.memory_space<semaphore_mem>>) src(%dma_wait3A_48 : memref<80xi32, #tpu.memory_space<hbm>>) dst(%arg7 : memref<80xi32, #tpu.memory_space<vmem>>)
          tpu.yield
        }) : () -> ()
        "tpu.region"() ({
          %run_scoped3A = tpu.sem_alloc : memref<!tpu.dma_semaphore, #tpu.memory_space<semaphore_mem>>
          %dma_start3A_45 = tpu.memref_slice %arg3[%add3A_41] : memref<322560xi32, #tpu.memory_space<hbm>> -> memref<80xi32, #tpu.memory_space<hbm>>
          %dma_start3A_46 = tpu.memref_slice %arg3[%add3A_41] : memref<322560xi32, #tpu.memory_space<hbm>> -> memref<80xi32, #tpu.memory_space<hbm>>
          tpu.enqueue_dma source(%dma_start3A_46 : memref<80xi32, #tpu.memory_space<hbm>>) target(%arg8 : memref<80xi32, #tpu.memory_space<vmem>>) target_semaphore(%run_scoped3A : memref<!tpu.dma_semaphore, #tpu.memory_space<semaphore_mem>>)
          %dma_wait3A_47 = tpu.memref_slice %arg3[%add3A_41] : memref<322560xi32, #tpu.memory_space<hbm>> -> memref<80xi32, #tpu.memory_space<hbm>>
          %dma_wait3A_48 = tpu.memref_slice %arg3[%add3A_41] : memref<322560xi32, #tpu.memory_space<hbm>> -> memref<80xi32, #tpu.memory_space<hbm>>
          tpu.wait_dma2 semaphore(%run_scoped3A : memref<!tpu.dma_semaphore, #tpu.memory_space<semaphore_mem>>) src(%dma_wait3A_48 : memref<80xi32, #tpu.memory_space<hbm>>) dst(%arg8 : memref<80xi32, #tpu.memory_space<vmem>>)
          tpu.yield
        }) : () -> ()
        %dma_start3A_42 = arith.constant 0 : i32
        %dma_start3A_43 = arith.constant 0 : i32
        %dma_start3A_44 = tpu.memref_slice %arg4[%dma_start3A_42, %dma_start3A_43] : memref<10000x128xf32, #tpu.memory_space<hbm>> -> memref<10000x128xf32, #tpu.memory_space<hbm>>
        tpu.enqueue_indirect_dma source(%dma_start3A_44 : memref<10000x128xf32, #tpu.memory_space<hbm>>) target(%arg11 : memref<80x128xf32, #tpu.memory_space<vmem>>) offsets(%arg7 : memref<80xi32, #tpu.memory_space<vmem>>) semaphore(%arg14 : memref<!tpu.dma_semaphore, #tpu.memory_space<semaphore_mem>>)
      } else {
      }
      %dma_wait3A_32 = arith.constant 0 : i32
      %dma_wait3A_33 = arith.constant 0 : i32
      %dma_wait3A_34 = tpu.memref_slice %arg4[%dma_wait3A_32, %dma_wait3A_33] : memref<10000x128xf32, #tpu.memory_space<hbm>> -> memref<10000x128xf32, #tpu.memory_space<hbm>>
      tpu.wait_indirect_dma semaphore(%arg15 : memref<!tpu.dma_semaphore, #tpu.memory_space<semaphore_mem>>) src(%dma_wait3A_34 : memref<10000x128xf32, #tpu.memory_space<hbm>>) dst(%arg12 : memref<80x128xf32, #tpu.memory_space<vmem>>)
      "tpu.region"() ({
        %run_scoped3A = tpu.sem_alloc : memref<!tpu.dma_semaphore, #tpu.memory_space<semaphore_mem>>
        %dma_start3A_35 = arith.constant 0 : i32
        %dma_start3A_36 = arith.constant 0 : i32
        %dma_start3A_37 = tpu.memref_slice %arg13[%dma_start3A_35, %dma_start3A_36] : memref<10240x128xf32, #tpu.memory_space<vmem_shared>> -> memref<10240x128xf32, #tpu.memory_space<vmem_shared>>
        tpu.enqueue_indirect_dma source(%arg12 : memref<80x128xf32, #tpu.memory_space<vmem>>) target(%dma_start3A_37 : memref<10240x128xf32, #tpu.memory_space<vmem_shared>>) offsets(%arg10 : memref<80xi32, #tpu.memory_space<vmem>>) semaphore(%run_scoped3A : memref<!tpu.dma_semaphore, #tpu.memory_space<semaphore_mem>>) {add = true}
        %dma_wait3A_38 = arith.constant 0 : i32
        %dma_wait3A_39 = arith.constant 0 : i32
        %dma_wait3A_40 = tpu.memref_slice %arg13[%dma_wait3A_38, %dma_wait3A_39] : memref<10240x128xf32, #tpu.memory_space<vmem_shared>> -> memref<10240x128xf32, #tpu.memory_space<vmem_shared>>
        tpu.wait_indirect_dma semaphore(%run_scoped3A : memref<!tpu.dma_semaphore, #tpu.memory_space<semaphore_mem>>) src(%arg12 : memref<80x128xf32, #tpu.memory_space<vmem>>) dst(%dma_wait3A_40 : memref<10240x128xf32, #tpu.memory_space<vmem_shared>>)
        tpu.yield
      }) : () -> ()
    }
    %scan3A_11 = arith.constant 63 : i32
    %barrier3A_12 = arith.constant 0 : index
    tpu.barrier barrier_id(%barrier3A_12)
    %mul3A_13 = arith.constant 640 : i32
    %mul3A_14 = arith.muli %arg1, %mul3A_13 : i32
    %mul3A_15 = arith.constant 640 : i32
    %mul3A_16 = arith.muli %arg1, %mul3A_15 : i32
    "tpu.region"() ({
      %run_scoped3A = tpu.sem_alloc : memref<!tpu.dma_semaphore, #tpu.memory_space<semaphore_mem>>
      %dma_start3A_17 = arith.constant 0 : i32
      %dma_start3A_18 = tpu.memref_slice %arg6[%arg0, %mul3A_16, %dma_start3A_17] : memref<2x10240x128xf32, #tpu.memory_space<hbm>> -> memref<1x640x128xf32, #tpu.memory_space<hbm>>
      %dma_start3A_19 = tpu.memref_squeeze %dma_start3A_18 : memref<1x640x128xf32, #tpu.memory_space<hbm>> -> memref<640x128xf32, #tpu.memory_space<hbm>>
      %dma_start3A_20 = arith.constant 0 : i32
      %dma_start3A_21 = tpu.memref_slice %arg13[%mul3A_14, %dma_start3A_20] : memref<10240x128xf32, #tpu.memory_space<vmem_shared>> -> memref<640x128xf32, #tpu.memory_space<vmem_shared>>
      tpu.enqueue_dma source(%dma_start3A_21 : memref<640x128xf32, #tpu.memory_space<vmem_shared>>) target(%dma_start3A_19 : memref<640x128xf32, #tpu.memory_space<hbm>>) target_semaphore(%run_scoped3A : memref<!tpu.dma_semaphore, #tpu.memory_space<semaphore_mem>>)
      %dma_wait3A = arith.constant 0 : i32
      %dma_wait3A_22 = tpu.memref_slice %arg6[%arg0, %mul3A_16, %dma_wait3A] : memref<2x10240x128xf32, #tpu.memory_space<hbm>> -> memref<1x640x128xf32, #tpu.memory_space<hbm>>
      %dma_wait3A_23 = tpu.memref_squeeze %dma_wait3A_22 : memref<1x640x128xf32, #tpu.memory_space<hbm>> -> memref<640x128xf32, #tpu.memory_space<hbm>>
      %dma_wait3A_24 = arith.constant 0 : i32
      %dma_wait3A_25 = tpu.memref_slice %arg13[%mul3A_14, %dma_wait3A_24] : memref<10240x128xf32, #tpu.memory_space<vmem_shared>> -> memref<640x128xf32, #tpu.memory_space<vmem_shared>>
      tpu.wait_dma2 semaphore(%run_scoped3A : memref<!tpu.dma_semaphore, #tpu.memory_space<semaphore_mem>>) src(%dma_wait3A_25 : memref<640x128xf32, #tpu.memory_space<vmem_shared>>) dst(%dma_wait3A_23 : memref<640x128xf32, #tpu.memory_space<hbm>>)
      tpu.yield
    }) : () -> ()
    return
  }
}

#map = affine_map<(d0, d1) -> (0)>
#map1 = affine_map<(d0, d1) -> (0, 0)>
#map2 = affine_map<(d0, d1) -> (0, 0, 0)>
module attributes {stable_mosaic.version = 14 : i64} {
  func.func @_segsum_sc(%arg0: i32, %arg1: i32, %arg2: memref<322560xi32, #tpu.memory_space<hbm>>, %arg3: memref<322560xi32, #tpu.memory_space<hbm>>, %arg4: memref<10000x128xf32, #tpu.memory_space<hbm>>, %arg5: memref<640x128xf32, #tpu.memory_space<hbm>>, %arg6: memref<2x10240x128xf32, #tpu.memory_space<hbm>>, %arg7: memref<80xi32, #tpu.memory_space<vmem>>, %arg8: memref<80xi32, #tpu.memory_space<vmem>>, %arg9: memref<80xi32, #tpu.memory_space<vmem>>, %arg10: memref<80xi32, #tpu.memory_space<vmem>>, %arg11: memref<80x128xf32, #tpu.memory_space<vmem>>, %arg12: memref<80x128xf32, #tpu.memory_space<vmem>>, %arg13: memref<10240x128xf32, #tpu.memory_space<vmem_shared>>, %arg14: memref<!tpu.dma_semaphore, #tpu.memory_space<semaphore_mem>>, %arg15: memref<!tpu.dma_semaphore, #tpu.memory_space<semaphore_mem>>) attributes {dimension_semantics = [#tpu.dimension_semantics<core_parallel>, #tpu.dimension_semantics<subcore_parallel>], iteration_bounds = array<i64: 2, 16>, scalar_prefetch = 0 : i64, scratch_operands = 9 : i64, tpu.core_type = #tpu.core_type<sc_vector_subcore>, window_params = [{transform_indices = #map}, {transform_indices = #map}, {transform_indices = #map1}, {transform_indices = #map1}, {transform_indices = #map2}]} {
    %mul3A = arith.constant 640 : i32
    %mul3A_0 = arith.muli %arg1, %mul3A : i32
    "tpu.region"() ({
      %run_scoped3A = tpu.sem_alloc : memref<!tpu.dma_semaphore, #tpu.memory_space<semaphore_mem>>
      %dma_start3A_17 = arith.constant 0 : i32
      %dma_start3A_18 = tpu.memref_slice %arg13[%mul3A_0, %dma_start3A_17] : memref<10240x128xf32, #tpu.memory_space<vmem_shared>> -> memref<640x128xf32, #tpu.memory_space<vmem_shared>>
      tpu.enqueue_dma source(%arg5 : memref<640x128xf32, #tpu.memory_space<hbm>>) target(%dma_start3A_18 : memref<640x128xf32, #tpu.memory_space<vmem_shared>>) target_semaphore(%run_scoped3A : memref<!tpu.dma_semaphore, #tpu.memory_space<semaphore_mem>>)
      %dma_wait3A = arith.constant 0 : i32
      %dma_wait3A_19 = tpu.memref_slice %arg13[%mul3A_0, %dma_wait3A] : memref<10240x128xf32, #tpu.memory_space<vmem_shared>> -> memref<640x128xf32, #tpu.memory_space<vmem_shared>>
      tpu.wait_dma2 semaphore(%run_scoped3A : memref<!tpu.dma_semaphore, #tpu.memory_space<semaphore_mem>>) src(%arg5 : memref<640x128xf32, #tpu.memory_space<hbm>>) dst(%dma_wait3A_19 : memref<640x128xf32, #tpu.memory_space<vmem_shared>>)
      tpu.yield
    }) : () -> ()
    %barrier3A = arith.constant 0 : index
    tpu.barrier barrier_id(%barrier3A)
    %mul3A_1 = arith.constant 16 : i32
    %mul3A_2 = arith.muli %arg0, %mul3A_1 : i32
    %add3A = arith.addi %mul3A_2, %arg1 : i32
    %mul3A_3 = arith.constant 10080 : i32
    %mul3A_4 = arith.muli %add3A, %mul3A_3 : i32
    "tpu.region"() ({
      %run_scoped3A = tpu.sem_alloc : memref<!tpu.dma_semaphore, #tpu.memory_space<semaphore_mem>>
      %dma_start3A_17 = tpu.memref_slice %arg2[%mul3A_4] : memref<322560xi32, #tpu.memory_space<hbm>> -> memref<80xi32, #tpu.memory_space<hbm>>
      %dma_start3A_18 = tpu.memref_slice %arg2[%mul3A_4] : memref<322560xi32, #tpu.memory_space<hbm>> -> memref<80xi32, #tpu.memory_space<hbm>>
      tpu.enqueue_dma source(%dma_start3A_18 : memref<80xi32, #tpu.memory_space<hbm>>) target(%arg7 : memref<80xi32, #tpu.memory_space<vmem>>) target_semaphore(%run_scoped3A : memref<!tpu.dma_semaphore, #tpu.memory_space<semaphore_mem>>)
      %dma_wait3A = tpu.memref_slice %arg2[%mul3A_4] : memref<322560xi32, #tpu.memory_space<hbm>> -> memref<80xi32, #tpu.memory_space<hbm>>
      %dma_wait3A_19 = tpu.memref_slice %arg2[%mul3A_4] : memref<322560xi32, #tpu.memory_space<hbm>> -> memref<80xi32, #tpu.memory_space<hbm>>
      tpu.wait_dma2 semaphore(%run_scoped3A : memref<!tpu.dma_semaphore, #tpu.memory_space<semaphore_mem>>) src(%dma_wait3A_19 : memref<80xi32, #tpu.memory_space<hbm>>) dst(%arg7 : memref<80xi32, #tpu.memory_space<vmem>>)
      tpu.yield
    }) : () -> ()
    "tpu.region"() ({
      %run_scoped3A = tpu.sem_alloc : memref<!tpu.dma_semaphore, #tpu.memory_space<semaphore_mem>>
      %dma_start3A_17 = tpu.memref_slice %arg3[%mul3A_4] : memref<322560xi32, #tpu.memory_space<hbm>> -> memref<80xi32, #tpu.memory_space<hbm>>
      %dma_start3A_18 = tpu.memref_slice %arg3[%mul3A_4] : memref<322560xi32, #tpu.memory_space<hbm>> -> memref<80xi32, #tpu.memory_space<hbm>>
      tpu.enqueue_dma source(%dma_start3A_18 : memref<80xi32, #tpu.memory_space<hbm>>) target(%arg8 : memref<80xi32, #tpu.memory_space<vmem>>) target_semaphore(%run_scoped3A : memref<!tpu.dma_semaphore, #tpu.memory_space<semaphore_mem>>)
      %dma_wait3A = tpu.memref_slice %arg3[%mul3A_4] : memref<322560xi32, #tpu.memory_space<hbm>> -> memref<80xi32, #tpu.memory_space<hbm>>
      %dma_wait3A_19 = tpu.memref_slice %arg3[%mul3A_4] : memref<322560xi32, #tpu.memory_space<hbm>> -> memref<80xi32, #tpu.memory_space<hbm>>
      tpu.wait_dma2 semaphore(%run_scoped3A : memref<!tpu.dma_semaphore, #tpu.memory_space<semaphore_mem>>) src(%dma_wait3A_19 : memref<80xi32, #tpu.memory_space<hbm>>) dst(%arg8 : memref<80xi32, #tpu.memory_space<vmem>>)
      tpu.yield
    }) : () -> ()
    %dma_start3A = arith.constant 0 : i32
    %dma_start3A_5 = arith.constant 0 : i32
    %dma_start3A_6 = tpu.memref_slice %arg4[%dma_start3A, %dma_start3A_5] : memref<10000x128xf32, #tpu.memory_space<hbm>> -> memref<10000x128xf32, #tpu.memory_space<hbm>>
    tpu.enqueue_indirect_dma source(%dma_start3A_6 : memref<10000x128xf32, #tpu.memory_space<hbm>>) target(%arg11 : memref<80x128xf32, #tpu.memory_space<vmem>>) offsets(%arg7 : memref<80xi32, #tpu.memory_space<vmem>>) semaphore(%arg14 : memref<!tpu.dma_semaphore, #tpu.memory_space<semaphore_mem>>)
    %scan3A = arith.constant 0 : i32
    %scan3A_7 = arith.constant 0 : i32
    %scan3A_8 = arith.constant 63 : i32
    %scan3A_9 = arith.addi %scan3A_7, %scan3A_8 : i32
    %scan3A_10 = arith.constant 1 : i32
    scf.for %scan3A_17 = %scan3A_7 to %scan3A_9 step %scan3A_10  : i32 {
      %mul3A_18 = arith.constant 2 : i32
      %mul3A_19 = arith.muli %mul3A_18, %scan3A_17 : i32
      %add3A_20 = arith.constant 1 : i32
      %add3A_21 = arith.addi %mul3A_19, %add3A_20 : i32
      %mul3A_22 = arith.constant 80 : i32
      %mul3A_23 = arith.muli %add3A_21, %mul3A_22 : i32
      %add3A_24 = arith.addi %mul3A_4, %mul3A_23 : i32
      "tpu.region"() ({
        %run_scoped3A = tpu.sem_alloc : memref<!tpu.dma_semaphore, #tpu.memory_space<semaphore_mem>>
        %dma_start3A_35 = tpu.memref_slice %arg2[%add3A_24] : memref<322560xi32, #tpu.memory_space<hbm>> -> memref<80xi32, #tpu.memory_space<hbm>>
        %dma_start3A_36 = tpu.memref_slice %arg2[%add3A_24] : memref<322560xi32, #tpu.memory_space<hbm>> -> memref<80xi32, #tpu.memory_space<hbm>>
        tpu.enqueue_dma source(%dma_start3A_36 : memref<80xi32, #tpu.memory_space<hbm>>) target(%arg9 : memref<80xi32, #tpu.memory_space<vmem>>) target_semaphore(%run_scoped3A : memref<!tpu.dma_semaphore, #tpu.memory_space<semaphore_mem>>)
        %dma_wait3A_37 = tpu.memref_slice %arg2[%add3A_24] : memref<322560xi32, #tpu.memory_space<hbm>> -> memref<80xi32, #tpu.memory_space<hbm>>
        %dma_wait3A_38 = tpu.memref_slice %arg2[%add3A_24] : memref<322560xi32, #tpu.memory_space<hbm>> -> memref<80xi32, #tpu.memory_space<hbm>>
        tpu.wait_dma2 semaphore(%run_scoped3A : memref<!tpu.dma_semaphore, #tpu.memory_space<semaphore_mem>>) src(%dma_wait3A_38 : memref<80xi32, #tpu.memory_space<hbm>>) dst(%arg9 : memref<80xi32, #tpu.memory_space<vmem>>)
        tpu.yield
      }) : () -> ()
      "tpu.region"() ({
        %run_scoped3A = tpu.sem_alloc : memref<!tpu.dma_semaphore, #tpu.memory_space<semaphore_mem>>
        %dma_start3A_35 = tpu.memref_slice %arg3[%add3A_24] : memref<322560xi32, #tpu.memory_space<hbm>> -> memref<80xi32, #tpu.memory_space<hbm>>
        %dma_start3A_36 = tpu.memref_slice %arg3[%add3A_24] : memref<322560xi32, #tpu.memory_space<hbm>> -> memref<80xi32, #tpu.memory_space<hbm>>
        tpu.enqueue_dma source(%dma_start3A_36 : memref<80xi32, #tpu.memory_space<hbm>>) target(%arg10 : memref<80xi32, #tpu.memory_space<vmem>>) target_semaphore(%run_scoped3A : memref<!tpu.dma_semaphore, #tpu.memory_space<semaphore_mem>>)
        %dma_wait3A_37 = tpu.memref_slice %arg3[%add3A_24] : memref<322560xi32, #tpu.memory_space<hbm>> -> memref<80xi32, #tpu.memory_space<hbm>>
        %dma_wait3A_38 = tpu.memref_slice %arg3[%add3A_24] : memref<322560xi32, #tpu.memory_space<hbm>> -> memref<80xi32, #tpu.memory_space<hbm>>
        tpu.wait_dma2 semaphore(%run_scoped3A : memref<!tpu.dma_semaphore, #tpu.memory_space<semaphore_mem>>) src(%dma_wait3A_38 : memref<80xi32, #tpu.memory_space<hbm>>) dst(%arg10 : memref<80xi32, #tpu.memory_space<vmem>>)
        tpu.yield
      }) : () -> ()
      %dma_start3A_25 = arith.constant 0 : i32
      %dma_start3A_26 = arith.constant 0 : i32
      %dma_start3A_27 = tpu.memref_slice %arg4[%dma_start3A_25, %dma_start3A_26] : memref<10000x128xf32, #tpu.memory_space<hbm>> -> memref<10000x128xf32, #tpu.memory_space<hbm>>
      tpu.enqueue_indirect_dma source(%dma_start3A_27 : memref<10000x128xf32, #tpu.memory_space<hbm>>) target(%arg12 : memref<80x128xf32, #tpu.memory_space<vmem>>) offsets(%arg9 : memref<80xi32, #tpu.memory_space<vmem>>) semaphore(%arg15 : memref<!tpu.dma_semaphore, #tpu.memory_space<semaphore_mem>>)
      %dma_wait3A = arith.constant 0 : i32
      %dma_wait3A_28 = arith.constant 0 : i32
      %dma_wait3A_29 = tpu.memref_slice %arg4[%dma_wait3A, %dma_wait3A_28] : memref<10000x128xf32, #tpu.memory_space<hbm>> -> memref<10000x128xf32, #tpu.memory_space<hbm>>
      tpu.wait_indirect_dma semaphore(%arg14 : memref<!tpu.dma_semaphore, #tpu.memory_space<semaphore_mem>>) src(%dma_wait3A_29 : memref<10000x128xf32, #tpu.memory_space<hbm>>) dst(%arg11 : memref<80x128xf32, #tpu.memory_space<vmem>>)
      "tpu.region"() ({
        %run_scoped3A = tpu.sem_alloc : memref<!tpu.dma_semaphore, #tpu.memory_space<semaphore_mem>>
        %dma_start3A_35 = arith.constant 0 : i32
        %dma_start3A_36 = arith.constant 0 : i32
        %dma_start3A_37 = tpu.memref_slice %arg13[%dma_start3A_35, %dma_start3A_36] : memref<10240x128xf32, #tpu.memory_space<vmem_shared>> -> memref<10240x128xf32, #tpu.memory_space<vmem_shared>>
        tpu.enqueue_indirect_dma source(%arg11 : memref<80x128xf32, #tpu.memory_space<vmem>>) target(%dma_start3A_37 : memref<10240x128xf32, #tpu.memory_space<vmem_shared>>) offsets(%arg8 : memref<80xi32, #tpu.memory_space<vmem>>) semaphore(%run_scoped3A : memref<!tpu.dma_semaphore, #tpu.memory_space<semaphore_mem>>) {add = true}
        %dma_wait3A_38 = arith.constant 0 : i32
        %dma_wait3A_39 = arith.constant 0 : i32
        %dma_wait3A_40 = tpu.memref_slice %arg13[%dma_wait3A_38, %dma_wait3A_39] : memref<10240x128xf32, #tpu.memory_space<vmem_shared>> -> memref<10240x128xf32, #tpu.memory_space<vmem_shared>>
        tpu.wait_indirect_dma semaphore(%run_scoped3A : memref<!tpu.dma_semaphore, #tpu.memory_space<semaphore_mem>>) src(%arg11 : memref<80x128xf32, #tpu.memory_space<vmem>>) dst(%dma_wait3A_40 : memref<10240x128xf32, #tpu.memory_space<vmem_shared>>)
        tpu.yield
      }) : () -> ()
      %lt3A = arith.constant 62 : i32
      %lt3A_30 = arith.cmpi slt, %scan3A_17, %lt3A : i32
      %convert_element_type3A = arith.extui %lt3A_30 : i1 to i32
      %cond3A = arith.constant 0 : i32
      %cond3A_31 = arith.cmpi ne, %convert_element_type3A, %cond3A : i32
      scf.if %cond3A_31 {
        %mul3A_35 = arith.constant 2 : i32
        %mul3A_36 = arith.muli %mul3A_35, %scan3A_17 : i32
        %add3A_37 = arith.constant 2 : i32
        %add3A_38 = arith.addi %mul3A_36, %add3A_37 : i32
        %mul3A_39 = arith.constant 80 : i32
        %mul3A_40 = arith.muli %add3A_38, %mul3A_39 : i32
        %add3A_41 = arith.addi %mul3A_4, %mul3A_40 : i32
        "tpu.region"() ({
          %run_scoped3A = tpu.sem_alloc : memref<!tpu.dma_semaphore, #tpu.memory_space<semaphore_mem>>
          %dma_start3A_45 = tpu.memref_slice %arg2[%add3A_41] : memref<322560xi32, #tpu.memory_space<hbm>> -> memref<80xi32, #tpu.memory_space<hbm>>
          %dma_start3A_46 = tpu.memref_slice %arg2[%add3A_41] : memref<322560xi32, #tpu.memory_space<hbm>> -> memref<80xi32, #tpu.memory_space<hbm>>
          tpu.enqueue_dma source(%dma_start3A_46 : memref<80xi32, #tpu.memory_space<hbm>>) target(%arg7 : memref<80xi32, #tpu.memory_space<vmem>>) target_semaphore(%run_scoped3A : memref<!tpu.dma_semaphore, #tpu.memory_space<semaphore_mem>>)
          %dma_wait3A_47 = tpu.memref_slice %arg2[%add3A_41] : memref<322560xi32, #tpu.memory_space<hbm>> -> memref<80xi32, #tpu.memory_space<hbm>>
          %dma_wait3A_48 = tpu.memref_slice %arg2[%add3A_41] : memref<322560xi32, #tpu.memory_space<hbm>> -> memref<80xi32, #tpu.memory_space<hbm>>
          tpu.wait_dma2 semaphore(%run_scoped3A : memref<!tpu.dma_semaphore, #tpu.memory_space<semaphore_mem>>) src(%dma_wait3A_48 : memref<80xi32, #tpu.memory_space<hbm>>) dst(%arg7 : memref<80xi32, #tpu.memory_space<vmem>>)
          tpu.yield
        }) : () -> ()
        "tpu.region"() ({
          %run_scoped3A = tpu.sem_alloc : memref<!tpu.dma_semaphore, #tpu.memory_space<semaphore_mem>>
          %dma_start3A_45 = tpu.memref_slice %arg3[%add3A_41] : memref<322560xi32, #tpu.memory_space<hbm>> -> memref<80xi32, #tpu.memory_space<hbm>>
          %dma_start3A_46 = tpu.memref_slice %arg3[%add3A_41] : memref<322560xi32, #tpu.memory_space<hbm>> -> memref<80xi32, #tpu.memory_space<hbm>>
          tpu.enqueue_dma source(%dma_start3A_46 : memref<80xi32, #tpu.memory_space<hbm>>) target(%arg8 : memref<80xi32, #tpu.memory_space<vmem>>) target_semaphore(%run_scoped3A : memref<!tpu.dma_semaphore, #tpu.memory_space<semaphore_mem>>)
          %dma_wait3A_47 = tpu.memref_slice %arg3[%add3A_41] : memref<322560xi32, #tpu.memory_space<hbm>> -> memref<80xi32, #tpu.memory_space<hbm>>
          %dma_wait3A_48 = tpu.memref_slice %arg3[%add3A_41] : memref<322560xi32, #tpu.memory_space<hbm>> -> memref<80xi32, #tpu.memory_space<hbm>>
          tpu.wait_dma2 semaphore(%run_scoped3A : memref<!tpu.dma_semaphore, #tpu.memory_space<semaphore_mem>>) src(%dma_wait3A_48 : memref<80xi32, #tpu.memory_space<hbm>>) dst(%arg8 : memref<80xi32, #tpu.memory_space<vmem>>)
          tpu.yield
        }) : () -> ()
        %dma_start3A_42 = arith.constant 0 : i32
        %dma_start3A_43 = arith.constant 0 : i32
        %dma_start3A_44 = tpu.memref_slice %arg4[%dma_start3A_42, %dma_start3A_43] : memref<10000x128xf32, #tpu.memory_space<hbm>> -> memref<10000x128xf32, #tpu.memory_space<hbm>>
        tpu.enqueue_indirect_dma source(%dma_start3A_44 : memref<10000x128xf32, #tpu.memory_space<hbm>>) target(%arg11 : memref<80x128xf32, #tpu.memory_space<vmem>>) offsets(%arg7 : memref<80xi32, #tpu.memory_space<vmem>>) semaphore(%arg14 : memref<!tpu.dma_semaphore, #tpu.memory_space<semaphore_mem>>)
      } else {
      }
      %dma_wait3A_32 = arith.constant 0 : i32
      %dma_wait3A_33 = arith.constant 0 : i32
      %dma_wait3A_34 = tpu.memref_slice %arg4[%dma_wait3A_32, %dma_wait3A_33] : memref<10000x128xf32, #tpu.memory_space<hbm>> -> memref<10000x128xf32, #tpu.memory_space<hbm>>
      tpu.wait_indirect_dma semaphore(%arg15 : memref<!tpu.dma_semaphore, #tpu.memory_space<semaphore_mem>>) src(%dma_wait3A_34 : memref<10000x128xf32, #tpu.memory_space<hbm>>) dst(%arg12 : memref<80x128xf32, #tpu.memory_space<vmem>>)
      "tpu.region"() ({
        %run_scoped3A = tpu.sem_alloc : memref<!tpu.dma_semaphore, #tpu.memory_space<semaphore_mem>>
        %dma_start3A_35 = arith.constant 0 : i32
        %dma_start3A_36 = arith.constant 0 : i32
        %dma_start3A_37 = tpu.memref_slice %arg13[%dma_start3A_35, %dma_start3A_36] : memref<10240x128xf32, #tpu.memory_space<vmem_shared>> -> memref<10240x128xf32, #tpu.memory_space<vmem_shared>>
        tpu.enqueue_indirect_dma source(%arg12 : memref<80x128xf32, #tpu.memory_space<vmem>>) target(%dma_start3A_37 : memref<10240x128xf32, #tpu.memory_space<vmem_shared>>) offsets(%arg10 : memref<80xi32, #tpu.memory_space<vmem>>) semaphore(%run_scoped3A : memref<!tpu.dma_semaphore, #tpu.memory_space<semaphore_mem>>) {add = true}
        %dma_wait3A_38 = arith.constant 0 : i32
        %dma_wait3A_39 = arith.constant 0 : i32
        %dma_wait3A_40 = tpu.memref_slice %arg13[%dma_wait3A_38, %dma_wait3A_39] : memref<10240x128xf32, #tpu.memory_space<vmem_shared>> -> memref<10240x128xf32, #tpu.memory_space<vmem_shared>>
        tpu.wait_indirect_dma semaphore(%run_scoped3A : memref<!tpu.dma_semaphore, #tpu.memory_space<semaphore_mem>>) src(%arg12 : memref<80x128xf32, #tpu.memory_space<vmem>>) dst(%dma_wait3A_40 : memref<10240x128xf32, #tpu.memory_space<vmem_shared>>)
        tpu.yield
      }) : () -> ()
    }
    %scan3A_11 = arith.constant 63 : i32
    %barrier3A_12 = arith.constant 0 : index
    tpu.barrier barrier_id(%barrier3A_12)
    %mul3A_13 = arith.constant 640 : i32
    %mul3A_14 = arith.muli %arg1, %mul3A_13 : i32
    %mul3A_15 = arith.constant 640 : i32
    %mul3A_16 = arith.muli %arg1, %mul3A_15 : i32
    "tpu.region"() ({
      %run_scoped3A = tpu.sem_alloc : memref<!tpu.dma_semaphore, #tpu.memory_space<semaphore_mem>>
      %dma_start3A_17 = arith.constant 0 : i32
      %dma_start3A_18 = tpu.memref_slice %arg6[%arg0, %mul3A_16, %dma_start3A_17] : memref<2x10240x128xf32, #tpu.memory_space<hbm>> -> memref<1x640x128xf32, #tpu.memory_space<hbm>>
      %dma_start3A_19 = tpu.memref_squeeze %dma_start3A_18 : memref<1x640x128xf32, #tpu.memory_space<hbm>> -> memref<640x128xf32, #tpu.memory_space<hbm>>
      %dma_start3A_20 = arith.constant 0 : i32
      %dma_start3A_21 = tpu.memref_slice %arg13[%mul3A_14, %dma_start3A_20] : memref<10240x128xf32, #tpu.memory_space<vmem_shared>> -> memref<640x128xf32, #tpu.memory_space<vmem_shared>>
      tpu.enqueue_dma source(%dma_start3A_21 : memref<640x128xf32, #tpu.memory_space<vmem_shared>>) target(%dma_start3A_19 : memref<640x128xf32, #tpu.memory_space<hbm>>) target_semaphore(%run_scoped3A : memref<!tpu.dma_semaphore, #tpu.memory_space<semaphore_mem>>)
      %dma_wait3A = arith.constant 0 : i32
      %dma_wait3A_22 = tpu.memref_slice %arg6[%arg0, %mul3A_16, %dma_wait3A] : memref<2x10240x128xf32, #tpu.memory_space<hbm>> -> memref<1x640x128xf32, #tpu.memory_space<hbm>>
      %dma_wait3A_23 = tpu.memref_squeeze %dma_wait3A_22 : memref<1x640x128xf32, #tpu.memory_space<hbm>> -> memref<640x128xf32, #tpu.memory_space<hbm>>
      %dma_wait3A_24 = arith.constant 0 : i32
      %dma_wait3A_25 = tpu.memref_slice %arg13[%mul3A_14, %dma_wait3A_24] : memref<10240x128xf32, #tpu.memory_space<vmem_shared>> -> memref<640x128xf32, #tpu.memory_space<vmem_shared>>
      tpu.wait_dma2 semaphore(%run_scoped3A : memref<!tpu.dma_semaphore, #tpu.memory_space<semaphore_mem>>) src(%dma_wait3A_25 : memref<640x128xf32, #tpu.memory_space<vmem_shared>>) dst(%dma_wait3A_23 : memref<640x128xf32, #tpu.memory_space<hbm>>)
      tpu.yield
    }) : () -> ()
    return
  }
}

#map = affine_map<(d0, d1) -> (0)>
#map1 = affine_map<(d0, d1) -> (0, 0)>
#map2 = affine_map<(d0, d1) -> (0, 0, 0)>
module attributes {stable_mosaic.version = 14 : i64} {
  func.func @_segsum_sc(%arg0: i32, %arg1: i32, %arg2: memref<322560xi32, #tpu.memory_space<hbm>>, %arg3: memref<322560xi32, #tpu.memory_space<hbm>>, %arg4: memref<10000x128xf32, #tpu.memory_space<hbm>>, %arg5: memref<640x128xf32, #tpu.memory_space<hbm>>, %arg6: memref<2x10240x128xf32, #tpu.memory_space<hbm>>, %arg7: memref<80xi32, #tpu.memory_space<vmem>>, %arg8: memref<80xi32, #tpu.memory_space<vmem>>, %arg9: memref<80xi32, #tpu.memory_space<vmem>>, %arg10: memref<80xi32, #tpu.memory_space<vmem>>, %arg11: memref<80x128xf32, #tpu.memory_space<vmem>>, %arg12: memref<80x128xf32, #tpu.memory_space<vmem>>, %arg13: memref<10240x128xf32, #tpu.memory_space<vmem_shared>>, %arg14: memref<!tpu.dma_semaphore, #tpu.memory_space<semaphore_mem>>, %arg15: memref<!tpu.dma_semaphore, #tpu.memory_space<semaphore_mem>>) attributes {dimension_semantics = [#tpu.dimension_semantics<core_parallel>, #tpu.dimension_semantics<subcore_parallel>], iteration_bounds = array<i64: 2, 16>, scalar_prefetch = 0 : i64, scratch_operands = 9 : i64, tpu.core_type = #tpu.core_type<sc_vector_subcore>, window_params = [{transform_indices = #map}, {transform_indices = #map}, {transform_indices = #map1}, {transform_indices = #map1}, {transform_indices = #map2}]} {
    %mul3A = arith.constant 640 : i32
    %mul3A_0 = arith.muli %arg1, %mul3A : i32
    "tpu.region"() ({
      %run_scoped3A = tpu.sem_alloc : memref<!tpu.dma_semaphore, #tpu.memory_space<semaphore_mem>>
      %dma_start3A_17 = arith.constant 0 : i32
      %dma_start3A_18 = tpu.memref_slice %arg13[%mul3A_0, %dma_start3A_17] : memref<10240x128xf32, #tpu.memory_space<vmem_shared>> -> memref<640x128xf32, #tpu.memory_space<vmem_shared>>
      tpu.enqueue_dma source(%arg5 : memref<640x128xf32, #tpu.memory_space<hbm>>) target(%dma_start3A_18 : memref<640x128xf32, #tpu.memory_space<vmem_shared>>) target_semaphore(%run_scoped3A : memref<!tpu.dma_semaphore, #tpu.memory_space<semaphore_mem>>)
      %dma_wait3A = arith.constant 0 : i32
      %dma_wait3A_19 = tpu.memref_slice %arg13[%mul3A_0, %dma_wait3A] : memref<10240x128xf32, #tpu.memory_space<vmem_shared>> -> memref<640x128xf32, #tpu.memory_space<vmem_shared>>
      tpu.wait_dma2 semaphore(%run_scoped3A : memref<!tpu.dma_semaphore, #tpu.memory_space<semaphore_mem>>) src(%arg5 : memref<640x128xf32, #tpu.memory_space<hbm>>) dst(%dma_wait3A_19 : memref<640x128xf32, #tpu.memory_space<vmem_shared>>)
      tpu.yield
    }) : () -> ()
    %barrier3A = arith.constant 0 : index
    tpu.barrier barrier_id(%barrier3A)
    %mul3A_1 = arith.constant 16 : i32
    %mul3A_2 = arith.muli %arg0, %mul3A_1 : i32
    %add3A = arith.addi %mul3A_2, %arg1 : i32
    %mul3A_3 = arith.constant 10080 : i32
    %mul3A_4 = arith.muli %add3A, %mul3A_3 : i32
    "tpu.region"() ({
      %run_scoped3A = tpu.sem_alloc : memref<!tpu.dma_semaphore, #tpu.memory_space<semaphore_mem>>
      %dma_start3A_17 = tpu.memref_slice %arg2[%mul3A_4] : memref<322560xi32, #tpu.memory_space<hbm>> -> memref<80xi32, #tpu.memory_space<hbm>>
      %dma_start3A_18 = tpu.memref_slice %arg2[%mul3A_4] : memref<322560xi32, #tpu.memory_space<hbm>> -> memref<80xi32, #tpu.memory_space<hbm>>
      tpu.enqueue_dma source(%dma_start3A_18 : memref<80xi32, #tpu.memory_space<hbm>>) target(%arg7 : memref<80xi32, #tpu.memory_space<vmem>>) target_semaphore(%run_scoped3A : memref<!tpu.dma_semaphore, #tpu.memory_space<semaphore_mem>>)
      %dma_wait3A = tpu.memref_slice %arg2[%mul3A_4] : memref<322560xi32, #tpu.memory_space<hbm>> -> memref<80xi32, #tpu.memory_space<hbm>>
      %dma_wait3A_19 = tpu.memref_slice %arg2[%mul3A_4] : memref<322560xi32, #tpu.memory_space<hbm>> -> memref<80xi32, #tpu.memory_space<hbm>>
      tpu.wait_dma2 semaphore(%run_scoped3A : memref<!tpu.dma_semaphore, #tpu.memory_space<semaphore_mem>>) src(%dma_wait3A_19 : memref<80xi32, #tpu.memory_space<hbm>>) dst(%arg7 : memref<80xi32, #tpu.memory_space<vmem>>)
      tpu.yield
    }) : () -> ()
    "tpu.region"() ({
      %run_scoped3A = tpu.sem_alloc : memref<!tpu.dma_semaphore, #tpu.memory_space<semaphore_mem>>
      %dma_start3A_17 = tpu.memref_slice %arg3[%mul3A_4] : memref<322560xi32, #tpu.memory_space<hbm>> -> memref<80xi32, #tpu.memory_space<hbm>>
      %dma_start3A_18 = tpu.memref_slice %arg3[%mul3A_4] : memref<322560xi32, #tpu.memory_space<hbm>> -> memref<80xi32, #tpu.memory_space<hbm>>
      tpu.enqueue_dma source(%dma_start3A_18 : memref<80xi32, #tpu.memory_space<hbm>>) target(%arg8 : memref<80xi32, #tpu.memory_space<vmem>>) target_semaphore(%run_scoped3A : memref<!tpu.dma_semaphore, #tpu.memory_space<semaphore_mem>>)
      %dma_wait3A = tpu.memref_slice %arg3[%mul3A_4] : memref<322560xi32, #tpu.memory_space<hbm>> -> memref<80xi32, #tpu.memory_space<hbm>>
      %dma_wait3A_19 = tpu.memref_slice %arg3[%mul3A_4] : memref<322560xi32, #tpu.memory_space<hbm>> -> memref<80xi32, #tpu.memory_space<hbm>>
      tpu.wait_dma2 semaphore(%run_scoped3A : memref<!tpu.dma_semaphore, #tpu.memory_space<semaphore_mem>>) src(%dma_wait3A_19 : memref<80xi32, #tpu.memory_space<hbm>>) dst(%arg8 : memref<80xi32, #tpu.memory_space<vmem>>)
      tpu.yield
    }) : () -> ()
    %dma_start3A = arith.constant 0 : i32
    %dma_start3A_5 = arith.constant 0 : i32
    %dma_start3A_6 = tpu.memref_slice %arg4[%dma_start3A, %dma_start3A_5] : memref<10000x128xf32, #tpu.memory_space<hbm>> -> memref<10000x128xf32, #tpu.memory_space<hbm>>
    tpu.enqueue_indirect_dma source(%dma_start3A_6 : memref<10000x128xf32, #tpu.memory_space<hbm>>) target(%arg11 : memref<80x128xf32, #tpu.memory_space<vmem>>) offsets(%arg7 : memref<80xi32, #tpu.memory_space<vmem>>) semaphore(%arg14 : memref<!tpu.dma_semaphore, #tpu.memory_space<semaphore_mem>>)
    %scan3A = arith.constant 0 : i32
    %scan3A_7 = arith.constant 0 : i32
    %scan3A_8 = arith.constant 63 : i32
    %scan3A_9 = arith.addi %scan3A_7, %scan3A_8 : i32
    %scan3A_10 = arith.constant 1 : i32
    scf.for %scan3A_17 = %scan3A_7 to %scan3A_9 step %scan3A_10  : i32 {
      %mul3A_18 = arith.constant 2 : i32
      %mul3A_19 = arith.muli %mul3A_18, %scan3A_17 : i32
      %add3A_20 = arith.constant 1 : i32
      %add3A_21 = arith.addi %mul3A_19, %add3A_20 : i32
      %mul3A_22 = arith.constant 80 : i32
      %mul3A_23 = arith.muli %add3A_21, %mul3A_22 : i32
      %add3A_24 = arith.addi %mul3A_4, %mul3A_23 : i32
      "tpu.region"() ({
        %run_scoped3A = tpu.sem_alloc : memref<!tpu.dma_semaphore, #tpu.memory_space<semaphore_mem>>
        %dma_start3A_35 = tpu.memref_slice %arg2[%add3A_24] : memref<322560xi32, #tpu.memory_space<hbm>> -> memref<80xi32, #tpu.memory_space<hbm>>
        %dma_start3A_36 = tpu.memref_slice %arg2[%add3A_24] : memref<322560xi32, #tpu.memory_space<hbm>> -> memref<80xi32, #tpu.memory_space<hbm>>
        tpu.enqueue_dma source(%dma_start3A_36 : memref<80xi32, #tpu.memory_space<hbm>>) target(%arg9 : memref<80xi32, #tpu.memory_space<vmem>>) target_semaphore(%run_scoped3A : memref<!tpu.dma_semaphore, #tpu.memory_space<semaphore_mem>>)
        %dma_wait3A_37 = tpu.memref_slice %arg2[%add3A_24] : memref<322560xi32, #tpu.memory_space<hbm>> -> memref<80xi32, #tpu.memory_space<hbm>>
        %dma_wait3A_38 = tpu.memref_slice %arg2[%add3A_24] : memref<322560xi32, #tpu.memory_space<hbm>> -> memref<80xi32, #tpu.memory_space<hbm>>
        tpu.wait_dma2 semaphore(%run_scoped3A : memref<!tpu.dma_semaphore, #tpu.memory_space<semaphore_mem>>) src(%dma_wait3A_38 : memref<80xi32, #tpu.memory_space<hbm>>) dst(%arg9 : memref<80xi32, #tpu.memory_space<vmem>>)
        tpu.yield
      }) : () -> ()
      "tpu.region"() ({
        %run_scoped3A = tpu.sem_alloc : memref<!tpu.dma_semaphore, #tpu.memory_space<semaphore_mem>>
        %dma_start3A_35 = tpu.memref_slice %arg3[%add3A_24] : memref<322560xi32, #tpu.memory_space<hbm>> -> memref<80xi32, #tpu.memory_space<hbm>>
        %dma_start3A_36 = tpu.memref_slice %arg3[%add3A_24] : memref<322560xi32, #tpu.memory_space<hbm>> -> memref<80xi32, #tpu.memory_space<hbm>>
        tpu.enqueue_dma source(%dma_start3A_36 : memref<80xi32, #tpu.memory_space<hbm>>) target(%arg10 : memref<80xi32, #tpu.memory_space<vmem>>) target_semaphore(%run_scoped3A : memref<!tpu.dma_semaphore, #tpu.memory_space<semaphore_mem>>)
        %dma_wait3A_37 = tpu.memref_slice %arg3[%add3A_24] : memref<322560xi32, #tpu.memory_space<hbm>> -> memref<80xi32, #tpu.memory_space<hbm>>
        %dma_wait3A_38 = tpu.memref_slice %arg3[%add3A_24] : memref<322560xi32, #tpu.memory_space<hbm>> -> memref<80xi32, #tpu.memory_space<hbm>>
        tpu.wait_dma2 semaphore(%run_scoped3A : memref<!tpu.dma_semaphore, #tpu.memory_space<semaphore_mem>>) src(%dma_wait3A_38 : memref<80xi32, #tpu.memory_space<hbm>>) dst(%arg10 : memref<80xi32, #tpu.memory_space<vmem>>)
        tpu.yield
      }) : () -> ()
      %dma_start3A_25 = arith.constant 0 : i32
      %dma_start3A_26 = arith.constant 0 : i32
      %dma_start3A_27 = tpu.memref_slice %arg4[%dma_start3A_25, %dma_start3A_26] : memref<10000x128xf32, #tpu.memory_space<hbm>> -> memref<10000x128xf32, #tpu.memory_space<hbm>>
      tpu.enqueue_indirect_dma source(%dma_start3A_27 : memref<10000x128xf32, #tpu.memory_space<hbm>>) target(%arg12 : memref<80x128xf32, #tpu.memory_space<vmem>>) offsets(%arg9 : memref<80xi32, #tpu.memory_space<vmem>>) semaphore(%arg15 : memref<!tpu.dma_semaphore, #tpu.memory_space<semaphore_mem>>)
      %dma_wait3A = arith.constant 0 : i32
      %dma_wait3A_28 = arith.constant 0 : i32
      %dma_wait3A_29 = tpu.memref_slice %arg4[%dma_wait3A, %dma_wait3A_28] : memref<10000x128xf32, #tpu.memory_space<hbm>> -> memref<10000x128xf32, #tpu.memory_space<hbm>>
      tpu.wait_indirect_dma semaphore(%arg14 : memref<!tpu.dma_semaphore, #tpu.memory_space<semaphore_mem>>) src(%dma_wait3A_29 : memref<10000x128xf32, #tpu.memory_space<hbm>>) dst(%arg11 : memref<80x128xf32, #tpu.memory_space<vmem>>)
      "tpu.region"() ({
        %run_scoped3A = tpu.sem_alloc : memref<!tpu.dma_semaphore, #tpu.memory_space<semaphore_mem>>
        %dma_start3A_35 = arith.constant 0 : i32
        %dma_start3A_36 = arith.constant 0 : i32
        %dma_start3A_37 = tpu.memref_slice %arg13[%dma_start3A_35, %dma_start3A_36] : memref<10240x128xf32, #tpu.memory_space<vmem_shared>> -> memref<10240x128xf32, #tpu.memory_space<vmem_shared>>
        tpu.enqueue_indirect_dma source(%arg11 : memref<80x128xf32, #tpu.memory_space<vmem>>) target(%dma_start3A_37 : memref<10240x128xf32, #tpu.memory_space<vmem_shared>>) offsets(%arg8 : memref<80xi32, #tpu.memory_space<vmem>>) semaphore(%run_scoped3A : memref<!tpu.dma_semaphore, #tpu.memory_space<semaphore_mem>>) {add = true}
        %dma_wait3A_38 = arith.constant 0 : i32
        %dma_wait3A_39 = arith.constant 0 : i32
        %dma_wait3A_40 = tpu.memref_slice %arg13[%dma_wait3A_38, %dma_wait3A_39] : memref<10240x128xf32, #tpu.memory_space<vmem_shared>> -> memref<10240x128xf32, #tpu.memory_space<vmem_shared>>
        tpu.wait_indirect_dma semaphore(%run_scoped3A : memref<!tpu.dma_semaphore, #tpu.memory_space<semaphore_mem>>) src(%arg11 : memref<80x128xf32, #tpu.memory_space<vmem>>) dst(%dma_wait3A_40 : memref<10240x128xf32, #tpu.memory_space<vmem_shared>>)
        tpu.yield
      }) : () -> ()
      %lt3A = arith.constant 62 : i32
      %lt3A_30 = arith.cmpi slt, %scan3A_17, %lt3A : i32
      %convert_element_type3A = arith.extui %lt3A_30 : i1 to i32
      %cond3A = arith.constant 0 : i32
      %cond3A_31 = arith.cmpi ne, %convert_element_type3A, %cond3A : i32
      scf.if %cond3A_31 {
        %mul3A_35 = arith.constant 2 : i32
        %mul3A_36 = arith.muli %mul3A_35, %scan3A_17 : i32
        %add3A_37 = arith.constant 2 : i32
        %add3A_38 = arith.addi %mul3A_36, %add3A_37 : i32
        %mul3A_39 = arith.constant 80 : i32
        %mul3A_40 = arith.muli %add3A_38, %mul3A_39 : i32
        %add3A_41 = arith.addi %mul3A_4, %mul3A_40 : i32
        "tpu.region"() ({
          %run_scoped3A = tpu.sem_alloc : memref<!tpu.dma_semaphore, #tpu.memory_space<semaphore_mem>>
          %dma_start3A_45 = tpu.memref_slice %arg2[%add3A_41] : memref<322560xi32, #tpu.memory_space<hbm>> -> memref<80xi32, #tpu.memory_space<hbm>>
          %dma_start3A_46 = tpu.memref_slice %arg2[%add3A_41] : memref<322560xi32, #tpu.memory_space<hbm>> -> memref<80xi32, #tpu.memory_space<hbm>>
          tpu.enqueue_dma source(%dma_start3A_46 : memref<80xi32, #tpu.memory_space<hbm>>) target(%arg7 : memref<80xi32, #tpu.memory_space<vmem>>) target_semaphore(%run_scoped3A : memref<!tpu.dma_semaphore, #tpu.memory_space<semaphore_mem>>)
          %dma_wait3A_47 = tpu.memref_slice %arg2[%add3A_41] : memref<322560xi32, #tpu.memory_space<hbm>> -> memref<80xi32, #tpu.memory_space<hbm>>
          %dma_wait3A_48 = tpu.memref_slice %arg2[%add3A_41] : memref<322560xi32, #tpu.memory_space<hbm>> -> memref<80xi32, #tpu.memory_space<hbm>>
          tpu.wait_dma2 semaphore(%run_scoped3A : memref<!tpu.dma_semaphore, #tpu.memory_space<semaphore_mem>>) src(%dma_wait3A_48 : memref<80xi32, #tpu.memory_space<hbm>>) dst(%arg7 : memref<80xi32, #tpu.memory_space<vmem>>)
          tpu.yield
        }) : () -> ()
        "tpu.region"() ({
          %run_scoped3A = tpu.sem_alloc : memref<!tpu.dma_semaphore, #tpu.memory_space<semaphore_mem>>
          %dma_start3A_45 = tpu.memref_slice %arg3[%add3A_41] : memref<322560xi32, #tpu.memory_space<hbm>> -> memref<80xi32, #tpu.memory_space<hbm>>
          %dma_start3A_46 = tpu.memref_slice %arg3[%add3A_41] : memref<322560xi32, #tpu.memory_space<hbm>> -> memref<80xi32, #tpu.memory_space<hbm>>
          tpu.enqueue_dma source(%dma_start3A_46 : memref<80xi32, #tpu.memory_space<hbm>>) target(%arg8 : memref<80xi32, #tpu.memory_space<vmem>>) target_semaphore(%run_scoped3A : memref<!tpu.dma_semaphore, #tpu.memory_space<semaphore_mem>>)
          %dma_wait3A_47 = tpu.memref_slice %arg3[%add3A_41] : memref<322560xi32, #tpu.memory_space<hbm>> -> memref<80xi32, #tpu.memory_space<hbm>>
          %dma_wait3A_48 = tpu.memref_slice %arg3[%add3A_41] : memref<322560xi32, #tpu.memory_space<hbm>> -> memref<80xi32, #tpu.memory_space<hbm>>
          tpu.wait_dma2 semaphore(%run_scoped3A : memref<!tpu.dma_semaphore, #tpu.memory_space<semaphore_mem>>) src(%dma_wait3A_48 : memref<80xi32, #tpu.memory_space<hbm>>) dst(%arg8 : memref<80xi32, #tpu.memory_space<vmem>>)
          tpu.yield
        }) : () -> ()
        %dma_start3A_42 = arith.constant 0 : i32
        %dma_start3A_43 = arith.constant 0 : i32
        %dma_start3A_44 = tpu.memref_slice %arg4[%dma_start3A_42, %dma_start3A_43] : memref<10000x128xf32, #tpu.memory_space<hbm>> -> memref<10000x128xf32, #tpu.memory_space<hbm>>
        tpu.enqueue_indirect_dma source(%dma_start3A_44 : memref<10000x128xf32, #tpu.memory_space<hbm>>) target(%arg11 : memref<80x128xf32, #tpu.memory_space<vmem>>) offsets(%arg7 : memref<80xi32, #tpu.memory_space<vmem>>) semaphore(%arg14 : memref<!tpu.dma_semaphore, #tpu.memory_space<semaphore_mem>>)
      } else {
      }
      %dma_wait3A_32 = arith.constant 0 : i32
      %dma_wait3A_33 = arith.constant 0 : i32
      %dma_wait3A_34 = tpu.memref_slice %arg4[%dma_wait3A_32, %dma_wait3A_33] : memref<10000x128xf32, #tpu.memory_space<hbm>> -> memref<10000x128xf32, #tpu.memory_space<hbm>>
      tpu.wait_indirect_dma semaphore(%arg15 : memref<!tpu.dma_semaphore, #tpu.memory_space<semaphore_mem>>) src(%dma_wait3A_34 : memref<10000x128xf32, #tpu.memory_space<hbm>>) dst(%arg12 : memref<80x128xf32, #tpu.memory_space<vmem>>)
      "tpu.region"() ({
        %run_scoped3A = tpu.sem_alloc : memref<!tpu.dma_semaphore, #tpu.memory_space<semaphore_mem>>
        %dma_start3A_35 = arith.constant 0 : i32
        %dma_start3A_36 = arith.constant 0 : i32
        %dma_start3A_37 = tpu.memref_slice %arg13[%dma_start3A_35, %dma_start3A_36] : memref<10240x128xf32, #tpu.memory_space<vmem_shared>> -> memref<10240x128xf32, #tpu.memory_space<vmem_shared>>
        tpu.enqueue_indirect_dma source(%arg12 : memref<80x128xf32, #tpu.memory_space<vmem>>) target(%dma_start3A_37 : memref<10240x128xf32, #tpu.memory_space<vmem_shared>>) offsets(%arg10 : memref<80xi32, #tpu.memory_space<vmem>>) semaphore(%run_scoped3A : memref<!tpu.dma_semaphore, #tpu.memory_space<semaphore_mem>>) {add = true}
        %dma_wait3A_38 = arith.constant 0 : i32
        %dma_wait3A_39 = arith.constant 0 : i32
        %dma_wait3A_40 = tpu.memref_slice %arg13[%dma_wait3A_38, %dma_wait3A_39] : memref<10240x128xf32, #tpu.memory_space<vmem_shared>> -> memref<10240x128xf32, #tpu.memory_space<vmem_shared>>
        tpu.wait_indirect_dma semaphore(%run_scoped3A : memref<!tpu.dma_semaphore, #tpu.memory_space<semaphore_mem>>) src(%arg12 : memref<80x128xf32, #tpu.memory_space<vmem>>) dst(%dma_wait3A_40 : memref<10240x128xf32, #tpu.memory_space<vmem_shared>>)
        tpu.yield
      }) : () -> ()
    }
    %scan3A_11 = arith.constant 63 : i32
    %barrier3A_12 = arith.constant 0 : index
    tpu.barrier barrier_id(%barrier3A_12)
    %mul3A_13 = arith.constant 640 : i32
    %mul3A_14 = arith.muli %arg1, %mul3A_13 : i32
    %mul3A_15 = arith.constant 640 : i32
    %mul3A_16 = arith.muli %arg1, %mul3A_15 : i32
    "tpu.region"() ({
      %run_scoped3A = tpu.sem_alloc : memref<!tpu.dma_semaphore, #tpu.memory_space<semaphore_mem>>
      %dma_start3A_17 = arith.constant 0 : i32
      %dma_start3A_18 = tpu.memref_slice %arg6[%arg0, %mul3A_16, %dma_start3A_17] : memref<2x10240x128xf32, #tpu.memory_space<hbm>> -> memref<1x640x128xf32, #tpu.memory_space<hbm>>
      %dma_start3A_19 = tpu.memref_squeeze %dma_start3A_18 : memref<1x640x128xf32, #tpu.memory_space<hbm>> -> memref<640x128xf32, #tpu.memory_space<hbm>>
      %dma_start3A_20 = arith.constant 0 : i32
      %dma_start3A_21 = tpu.memref_slice %arg13[%mul3A_14, %dma_start3A_20] : memref<10240x128xf32, #tpu.memory_space<vmem_shared>> -> memref<640x128xf32, #tpu.memory_space<vmem_shared>>
      tpu.enqueue_dma source(%dma_start3A_21 : memref<640x128xf32, #tpu.memory_space<vmem_shared>>) target(%dma_start3A_19 : memref<640x128xf32, #tpu.memory_space<hbm>>) target_semaphore(%run_scoped3A : memref<!tpu.dma_semaphore, #tpu.memory_space<semaphore_mem>>)
      %dma_wait3A = arith.constant 0 : i32
      %dma_wait3A_22 = tpu.memref_slice %arg6[%arg0, %mul3A_16, %dma_wait3A] : memref<2x10240x128xf32, #tpu.memory_space<hbm>> -> memref<1x640x128xf32, #tpu.memory_space<hbm>>
      %dma_wait3A_23 = tpu.memref_squeeze %dma_wait3A_22 : memref<1x640x128xf32, #tpu.memory_space<hbm>> -> memref<640x128xf32, #tpu.memory_space<hbm>>
      %dma_wait3A_24 = arith.constant 0 : i32
      %dma_wait3A_25 = tpu.memref_slice %arg13[%mul3A_14, %dma_wait3A_24] : memref<10240x128xf32, #tpu.memory_space<vmem_shared>> -> memref<640x128xf32, #tpu.memory_space<vmem_shared>>
      tpu.wait_dma2 semaphore(%run_scoped3A : memref<!tpu.dma_semaphore, #tpu.memory_space<semaphore_mem>>) src(%dma_wait3A_25 : memref<640x128xf32, #tpu.memory_space<vmem_shared>>) dst(%dma_wait3A_23 : memref<640x128xf32, #tpu.memory_space<hbm>>)
      tpu.yield
    }) : () -> ()
    return
  }
}

module attributes {stable_mosaic.version = 14 : i64} {
  func.func @_bnpool_body(%arg0: i32, %arg1: memref<2000x128xf32, #tpu.memory_space<vmem>>, %arg2: memref<1x128xf32, #tpu.memory_space<vmem>>, %arg3: memref<1x128xf32, #tpu.memory_space<vmem>>, %arg4: memref<1x128xf32, #tpu.memory_space<vmem>>, %arg5: memref<1x128xf32, #tpu.memory_space<vmem>>, %arg6: memref<1x1x2000xi32, #tpu.memory_space<vmem>>, %arg7: memref<2000x128xf32, #tpu.memory_space<vmem>>, %arg8: memref<64x128xf32, #tpu.memory_space<vmem>>, %arg9: memref<64x128xf32, #tpu.memory_space<vmem>>) attributes {dimension_semantics = [#tpu.dimension_semantics<arbitrary>], iteration_bounds = array<i64: 5>, scalar_prefetch = 0 : i64, scratch_operands = 0 : i64, tpu.core_type = #tpu.core_type<tc>, window_params = [{transform_indices = @transform_0, window_bounds = array<i64: 2000, 128>}, {pipeline_mode = #tpu.pipeline_mode<synchronous>, transform_indices = @transform_1, window_bounds = array<i64: 1, 128>}, {pipeline_mode = #tpu.pipeline_mode<synchronous>, transform_indices = @transform_2, window_bounds = array<i64: 1, 128>}, {pipeline_mode = #tpu.pipeline_mode<synchronous>, transform_indices = @transform_3, window_bounds = array<i64: 1, 128>}, {pipeline_mode = #tpu.pipeline_mode<synchronous>, transform_indices = @transform_4, window_bounds = array<i64: 1, 128>}, {transform_indices = @transform_5, window_bounds = array<i64: 1, 1, 2000>}, {transform_indices = @transform_6, window_bounds = array<i64: 2000, 128>}, {pipeline_mode = #tpu.pipeline_mode<synchronous>, transform_indices = @transform_7, window_bounds = array<i64: 64, 128>}, {pipeline_mode = #tpu.pipeline_mode<synchronous>, transform_indices = @transform_8, window_bounds = array<i64: 64, 128>}]} {
    %get3A = arith.constant 0 : index
    %get3A_0 = arith.constant 0 : index
    %get3A_1 = vector.load %arg2[%get3A, %get3A_0] : memref<1x128xf32, #tpu.memory_space<vmem>>, vector<1x128xf32>
    %div3A = arith.constant 1.000000e+04 : f32
    %div3A_2 = vector.broadcast %div3A : f32 to vector<1x128xf32>
    %div3A_3 = arith.divf %get3A_1, %div3A_2 : vector<1x128xf32>
    %get3A_4 = arith.constant 0 : index
    %get3A_5 = arith.constant 0 : index
    %get3A_6 = vector.load %arg3[%get3A_4, %get3A_5] : memref<1x128xf32, #tpu.memory_space<vmem>>, vector<1x128xf32>
    %div3A_7 = arith.constant 1.000000e+04 : f32
    %div3A_8 = vector.broadcast %div3A_7 : f32 to vector<1x128xf32>
    %div3A_9 = arith.divf %get3A_6, %div3A_8 : vector<1x128xf32>
    %mul3A = arith.mulf %div3A_3, %div3A_3 : vector<1x128xf32>
    %sub3A = arith.subf %div3A_9, %mul3A : vector<1x128xf32>
    %get3A_10 = arith.constant 0 : index
    %get3A_11 = arith.constant 0 : index
    %get3A_12 = vector.load %arg4[%get3A_10, %get3A_11] : memref<1x128xf32, #tpu.memory_space<vmem>>, vector<1x128xf32>
    %add3A = arith.constant 9.99999974E-6 : f32
    %add3A_13 = vector.broadcast %add3A : f32 to vector<1x128xf32>
    %add3A_14 = arith.addf %sub3A, %add3A_13 : vector<1x128xf32>
    %rsqrt3A = math.rsqrt %add3A_14 : vector<1x128xf32>
    %mul3A_15 = arith.mulf %get3A_12, %rsqrt3A : vector<1x128xf32>
    %get3A_16 = arith.constant 0 : index
    %get3A_17 = arith.constant 0 : index
    %get3A_18 = vector.load %arg1[%get3A_16, %get3A_17] : memref<2000x128xf32, #tpu.memory_space<vmem>>, vector<2000x128xf32>
    %sub3A_19 = vector.broadcast %div3A_3 : vector<1x128xf32> to vector<2000x128xf32>
    %sub3A_20 = arith.subf %get3A_18, %sub3A_19 : vector<2000x128xf32>
    %mul3A_21 = vector.broadcast %mul3A_15 : vector<1x128xf32> to vector<2000x128xf32>
    %mul3A_22 = arith.mulf %sub3A_20, %mul3A_21 : vector<2000x128xf32>
    %get3A_23 = arith.constant 0 : index
    %get3A_24 = arith.constant 0 : index
    %get3A_25 = vector.load %arg5[%get3A_23, %get3A_24] : memref<1x128xf32, #tpu.memory_space<vmem>>, vector<1x128xf32>
    %add3A_26 = vector.broadcast %get3A_25 : vector<1x128xf32> to vector<2000x128xf32>
    %add3A_27 = arith.addf %mul3A_22, %add3A_26 : vector<2000x128xf32>
    %max3A = arith.constant 0.000000e+00 : f32
    %max3A_28 = vector.broadcast %max3A : f32 to vector<2000x128xf32>
    %max3A_29 = arith.maximumf %add3A_27, %max3A_28 : vector<2000x128xf32>
    %swap3A = arith.constant 0 : index
    %swap3A_30 = arith.constant 0 : index
    %swap3A_31 = vector.load %arg7[%swap3A, %swap3A_30] : memref<2000x128xf32, #tpu.memory_space<vmem>>, vector<2000x128xf32>
    tpu.vector_store %arg7[%swap3A, %swap3A_30], %max3A_29 {strides = array<i32>} : memref<2000x128xf32, #tpu.memory_space<vmem>>, vector<2000x128xf32>,
    %get3A_32 = arith.constant 0 : index
    %get3A_33 = arith.constant 0 : index
    %get3A_34 = arith.constant 0 : index
    %get3A_35 = vector.load %arg6[%get3A_32, %get3A_33, %get3A_34] : memref<1x1x2000xi32, #tpu.memory_space<vmem>>, vector<1x1x2000xi32>
    %get3A_36 = vector.shape_cast %get3A_35 : vector<1x1x2000xi32> to vector<1x2000xi32>
    %iota3A = tpu.iota {dimensions = array<i32: 0>} : vector<64x2000xi32>
    %eq3A = vector.broadcast %get3A_36 : vector<1x2000xi32> to vector<64x2000xi32>
    %eq3A_37 = arith.cmpi eq, %eq3A, %iota3A : vector<64x2000xi32>
    %convert_element_type3A = arith.extui %eq3A_37 : vector<64x2000xi1> to vector<64x2000xi32>
    %convert_element_type3A_38 = arith.sitofp %convert_element_type3A : vector<64x2000xi32> to vector<64x2000xf32>
    %eq3A_39 = arith.constant 0 : i32
    %eq3A_40 = arith.cmpi eq, %arg0, %eq3A_39 : i32
    %convert_element_type3A_41 = arith.extui %eq3A_40 : i1 to i32
    %cond3A = arith.constant 0 : i32
    %cond3A_42 = arith.cmpi ne, %convert_element_type3A_41, %cond3A : i32
    scf.if %cond3A_42 {
      %broadcast_in_dim3A_61 = arith.constant 0.000000e+00 : f32
      %broadcast_in_dim3A_62 = vector.broadcast %broadcast_in_dim3A_61 : f32 to vector<64x128xf32>
      %swap3A_63 = arith.constant 0 : index
      %swap3A_64 = arith.constant 0 : index
      %swap3A_65 = vector.load %arg8[%swap3A_63, %swap3A_64] : memref<64x128xf32, #tpu.memory_space<vmem>>, vector<64x128xf32>
      tpu.vector_store %arg8[%swap3A_63, %swap3A_64], %broadcast_in_dim3A_62 {strides = array<i32>} : memref<64x128xf32, #tpu.memory_space<vmem>>, vector<64x128xf32>,
      %broadcast_in_dim3A_66 = arith.constant 0.000000e+00 : f32
      %broadcast_in_dim3A_67 = vector.broadcast %broadcast_in_dim3A_66 : f32 to vector<64x128xf32>
      %swap3A_68 = arith.constant 0 : index
      %swap3A_69 = arith.constant 0 : index
      %swap3A_70 = vector.load %arg9[%swap3A_68, %swap3A_69] : memref<64x128xf32, #tpu.memory_space<vmem>>, vector<64x128xf32>
      tpu.vector_store %arg9[%swap3A_68, %swap3A_69], %broadcast_in_dim3A_67 {strides = array<i32>} : memref<64x128xf32, #tpu.memory_space<vmem>>, vector<64x128xf32>,
    } else {
    }
    %get3A_43 = arith.constant 0 : index
    %get3A_44 = arith.constant 0 : index
    %get3A_45 = vector.load %arg8[%get3A_43, %get3A_44] : memref<64x128xf32, #tpu.memory_space<vmem>>, vector<64x128xf32>
    %dot_general3A = arith.constant dense<0.000000e+00> : vector<64x128xf32>
    %dot_general3A_46 = tpu.matmul %convert_element_type3A_38, %max3A_29, %dot_general3A {dimension_numbers = #tpu.dot_dimension_numbers<[1], [0], [0], [1], [0, 0, 1, 1], [], []>, transpose_lhs_hint = false} : vector<64x2000xf32>, vector<2000x128xf32>, vector<64x128xf32> -> vector<64x128xf32>
    %add3A_47 = arith.addf %get3A_45, %dot_general3A_46 : vector<64x128xf32>
    %swap3A_48 = arith.constant 0 : index
    %swap3A_49 = arith.constant 0 : index
    %swap3A_50 = vector.load %arg8[%swap3A_48, %swap3A_49] : memref<64x128xf32, #tpu.memory_space<vmem>>, vector<64x128xf32>
    tpu.vector_store %arg8[%swap3A_48, %swap3A_49], %add3A_47 {strides = array<i32>} : memref<64x128xf32, #tpu.memory_space<vmem>>, vector<64x128xf32>,
    %get3A_51 = arith.constant 0 : index
    %get3A_52 = arith.constant 0 : index
    %get3A_53 = vector.load %arg9[%get3A_51, %get3A_52] : memref<64x128xf32, #tpu.memory_space<vmem>>, vector<64x128xf32>
    %reduce_sum3A = arith.constant dense<0.000000e+00> : vector<64xf32>
    %reduce_sum3A_54 = vector.multi_reduction <add>, %convert_element_type3A_38, %reduce_sum3A [1] : vector<64x2000xf32> to vector<64xf32>
    %broadcast_in_dim3A = vector.shape_cast %reduce_sum3A_54 : vector<64xf32> to vector<64x1xf32>
    %broadcast_in_dim3A_55 = vector.shape_cast %broadcast_in_dim3A : vector<64x1xf32> to vector<64x1xf32>
    %broadcast_in_dim3A_56 = vector.broadcast %broadcast_in_dim3A_55 : vector<64x1xf32> to vector<64x128xf32>
    %add3A_57 = arith.addf %get3A_53, %broadcast_in_dim3A_56 : vector<64x128xf32>
    %swap3A_58 = arith.constant 0 : index
    %swap3A_59 = arith.constant 0 : index
    %swap3A_60 = vector.load %arg9[%swap3A_58, %swap3A_59] : memref<64x128xf32, #tpu.memory_space<vmem>>, vector<64x128xf32>
    tpu.vector_store %arg9[%swap3A_58, %swap3A_59], %add3A_57 {strides = array<i32>} : memref<64x128xf32, #tpu.memory_space<vmem>>, vector<64x128xf32>,
    return
  }
  func.func @transform_0(%arg0: i32) -> (i32, i32) {
    %c0_i32 = arith.constant 0 : i32
    %c0_i32_0 = arith.constant 0 : i32
    return %arg0, %c0_i32 : i32, i32
  }
  func.func @transform_1(%arg0: i32) -> (i32, i32) {
    %c0_i32 = arith.constant 0 : i32
    %c0_i32_0 = arith.constant 0 : i32
    %c0_i32_1 = arith.constant 0 : i32
    return %c0_i32, %c0_i32_0 : i32, i32
  }
  func.func @transform_2(%arg0: i32) -> (i32, i32) {
    %c0_i32 = arith.constant 0 : i32
    %c0_i32_0 = arith.constant 0 : i32
    %c0_i32_1 = arith.constant 0 : i32
    return %c0_i32, %c0_i32_0 : i32, i32
  }
  func.func @transform_3(%arg0: i32) -> (i32, i32) {
    %c0_i32 = arith.constant 0 : i32
    %c0_i32_0 = arith.constant 0 : i32
    %c0_i32_1 = arith.constant 0 : i32
    return %c0_i32, %c0_i32_0 : i32, i32
  }
  func.func @transform_4(%arg0: i32) -> (i32, i32) {
    %c0_i32 = arith.constant 0 : i32
    %c0_i32_0 = arith.constant 0 : i32
    %c0_i32_1 = arith.constant 0 : i32
    return %c0_i32, %c0_i32_0 : i32, i32
  }
  func.func @transform_5(%arg0: i32) -> (i32, i32, i32) {
    %c0_i32 = arith.constant 0 : i32
    %c0_i32_0 = arith.constant 0 : i32
    %c0_i32_1 = arith.constant 0 : i32
    return %arg0, %c0_i32, %c0_i32_0 : i32, i32, i32
  }
  func.func @transform_6(%arg0: i32) -> (i32, i32) {
    %c0_i32 = arith.constant 0 : i32
    %c0_i32_0 = arith.constant 0 : i32
    return %arg0, %c0_i32 : i32, i32
  }
  func.func @transform_7(%arg0: i32) -> (i32, i32) {
    %c0_i32 = arith.constant 0 : i32
    %c0_i32_0 = arith.constant 0 : i32
    %c0_i32_1 = arith.constant 0 : i32
    return %c0_i32, %c0_i32_0 : i32, i32
  }
  func.func @transform_8(%arg0: i32) -> (i32, i32) {
    %c0_i32 = arith.constant 0 : i32
    %c0_i32_0 = arith.constant 0 : i32
    %c0_i32_1 = arith.constant 0 : i32
    return %c0_i32, %c0_i32_0 : i32, i32
  }
}

module attributes {stable_mosaic.version = 14 : i64} {
  func.func @_mm_body(%arg0: i32, %arg1: memref<2000x128xf32, #tpu.memory_space<vmem>>, %arg2: memref<1x2000x128xf32, #tpu.memory_space<vmem>>, %arg3: memref<1x2000x128xf32, #tpu.memory_space<vmem>>, %arg4: memref<128x128xf32, #tpu.memory_space<vmem>>, %arg5: memref<1x128xf32, #tpu.memory_space<vmem>>, %arg6: memref<128x128xf32, #tpu.memory_space<vmem>>, %arg7: memref<1x128xf32, #tpu.memory_space<vmem>>, %arg8: memref<2000x128xf32, #tpu.memory_space<vmem>>, %arg9: memref<1x128xf32, #tpu.memory_space<vmem>>, %arg10: memref<1x128xf32, #tpu.memory_space<vmem>>) attributes {dimension_semantics = [#tpu.dimension_semantics<arbitrary>], iteration_bounds = array<i64: 5>, scalar_prefetch = 0 : i64, scratch_operands = 0 : i64, tpu.core_type = #tpu.core_type<tc>, window_params = [{transform_indices = @transform_0, window_bounds = array<i64: 2000, 128>}, {transform_indices = @transform_1, window_bounds = array<i64: 1, 2000, 128>}, {transform_indices = @transform_2, window_bounds = array<i64: 1, 2000, 128>}, {pipeline_mode = #tpu.pipeline_mode<synchronous>, transform_indices = @transform_3, window_bounds = array<i64: 128, 128>}, {pipeline_mode = #tpu.pipeline_mode<synchronous>, transform_indices = @transform_4, window_bounds = array<i64: 1, 128>}, {pipeline_mode = #tpu.pipeline_mode<synchronous>, transform_indices = @transform_5, window_bounds = array<i64: 128, 128>}, {pipeline_mode = #tpu.pipeline_mode<synchronous>, transform_indices = @transform_6, window_bounds = array<i64: 1, 128>}, {transform_indices = @transform_7, window_bounds = array<i64: 2000, 128>}, {pipeline_mode = #tpu.pipeline_mode<synchronous>, transform_indices = @transform_8, window_bounds = array<i64: 1, 128>}, {pipeline_mode = #tpu.pipeline_mode<synchronous>, transform_indices = @transform_9, window_bounds = array<i64: 1, 128>}]} {
    %get3A = arith.constant 0 : index
    %get3A_0 = arith.constant 0 : index
    %get3A_1 = vector.load %arg1[%get3A, %get3A_0] : memref<2000x128xf32, #tpu.memory_space<vmem>>, vector<2000x128xf32>
    %get3A_2 = arith.constant 0 : index
    %get3A_3 = arith.constant 0 : index
    %get3A_4 = arith.constant 0 : index
    %get3A_5 = vector.load %arg2[%get3A_2, %get3A_3, %get3A_4] : memref<1x2000x128xf32, #tpu.memory_space<vmem>>, vector<1x2000x128xf32>
    %get3A_6 = vector.shape_cast %get3A_5 : vector<1x2000x128xf32> to vector<2000x128xf32>
    %add3A = arith.addf %get3A_1, %get3A_6 : vector<2000x128xf32>
    %get3A_7 = arith.constant 0 : index
    %get3A_8 = arith.constant 0 : index
    %get3A_9 = arith.constant 0 : index
    %get3A_10 = vector.load %arg3[%get3A_7, %get3A_8, %get3A_9] : memref<1x2000x128xf32, #tpu.memory_space<vmem>>, vector<1x2000x128xf32>
    %get3A_11 = vector.shape_cast %get3A_10 : vector<1x2000x128xf32> to vector<2000x128xf32>
    %add3A_12 = arith.addf %add3A, %get3A_11 : vector<2000x128xf32>
    %get3A_13 = arith.constant 0 : index
    %get3A_14 = arith.constant 0 : index
    %get3A_15 = vector.load %arg4[%get3A_13, %get3A_14] : memref<128x128xf32, #tpu.memory_space<vmem>>, vector<128x128xf32>
    %dot_general3A = arith.constant dense<0.000000e+00> : vector<2000x128xf32>
    %dot_general3A_16 = tpu.matmul %add3A_12, %get3A_15, %dot_general3A {dimension_numbers = #tpu.dot_dimension_numbers<[1], [0], [0], [1], [0, 0, 1, 1], [], []>, transpose_lhs_hint = false} : vector<2000x128xf32>, vector<128x128xf32>, vector<2000x128xf32> -> vector<2000x128xf32>
    %get3A_17 = arith.constant 0 : index
    %get3A_18 = arith.constant 0 : index
    %get3A_19 = vector.load %arg5[%get3A_17, %get3A_18] : memref<1x128xf32, #tpu.memory_space<vmem>>, vector<1x128xf32>
    %add3A_20 = vector.broadcast %get3A_19 : vector<1x128xf32> to vector<2000x128xf32>
    %add3A_21 = arith.addf %dot_general3A_16, %add3A_20 : vector<2000x128xf32>
    %max3A = arith.constant 0.000000e+00 : f32
    %max3A_22 = vector.broadcast %max3A : f32 to vector<2000x128xf32>
    %max3A_23 = arith.maximumf %add3A_21, %max3A_22 : vector<2000x128xf32>
    %get3A_24 = arith.constant 0 : index
    %get3A_25 = arith.constant 0 : index
    %get3A_26 = vector.load %arg6[%get3A_24, %get3A_25] : memref<128x128xf32, #tpu.memory_space<vmem>>, vector<128x128xf32>
    %dot_general3A_27 = arith.constant dense<0.000000e+00> : vector<2000x128xf32>
    %dot_general3A_28 = tpu.matmul %max3A_23, %get3A_26, %dot_general3A_27 {dimension_numbers = #tpu.dot_dimension_numbers<[1], [0], [0], [1], [0, 0, 1, 1], [], []>, transpose_lhs_hint = false} : vector<2000x128xf32>, vector<128x128xf32>, vector<2000x128xf32> -> vector<2000x128xf32>
    %get3A_29 = arith.constant 0 : index
    %get3A_30 = arith.constant 0 : index
    %get3A_31 = vector.load %arg7[%get3A_29, %get3A_30] : memref<1x128xf32, #tpu.memory_space<vmem>>, vector<1x128xf32>
    %add3A_32 = vector.broadcast %get3A_31 : vector<1x128xf32> to vector<2000x128xf32>
    %add3A_33 = arith.addf %dot_general3A_28, %add3A_32 : vector<2000x128xf32>
    %swap3A = arith.constant 0 : index
    %swap3A_34 = arith.constant 0 : index
    %swap3A_35 = vector.load %arg8[%swap3A, %swap3A_34] : memref<2000x128xf32, #tpu.memory_space<vmem>>, vector<2000x128xf32>
    tpu.vector_store %arg8[%swap3A, %swap3A_34], %add3A_33 {strides = array<i32>} : memref<2000x128xf32, #tpu.memory_space<vmem>>, vector<2000x128xf32>,
    %eq3A = arith.constant 0 : i32
    %eq3A_36 = arith.cmpi eq, %arg0, %eq3A : i32
    %convert_element_type3A = arith.extui %eq3A_36 : i1 to i32
    %cond3A = arith.constant 0 : i32
    %cond3A_37 = arith.cmpi ne, %convert_element_type3A, %cond3A : i32
    scf.if %cond3A_37 {
      %broadcast_in_dim3A_56 = arith.constant 0.000000e+00 : f32
      %broadcast_in_dim3A_57 = vector.broadcast %broadcast_in_dim3A_56 : f32 to vector<1x128xf32>
      %swap3A_58 = arith.constant 0 : index
      %swap3A_59 = arith.constant 0 : index
      %swap3A_60 = vector.load %arg9[%swap3A_58, %swap3A_59] : memref<1x128xf32, #tpu.memory_space<vmem>>, vector<1x128xf32>
      tpu.vector_store %arg9[%swap3A_58, %swap3A_59], %broadcast_in_dim3A_57 {strides = array<i32>} : memref<1x128xf32, #tpu.memory_space<vmem>>, vector<1x128xf32>,
      %broadcast_in_dim3A_61 = arith.constant 0.000000e+00 : f32
      %broadcast_in_dim3A_62 = vector.broadcast %broadcast_in_dim3A_61 : f32 to vector<1x128xf32>
      %swap3A_63 = arith.constant 0 : index
      %swap3A_64 = arith.constant 0 : index
      %swap3A_65 = vector.load %arg10[%swap3A_63, %swap3A_64] : memref<1x128xf32, #tpu.memory_space<vmem>>, vector<1x128xf32>
      tpu.vector_store %arg10[%swap3A_63, %swap3A_64], %broadcast_in_dim3A_62 {strides = array<i32>} : memref<1x128xf32, #tpu.memory_space<vmem>>, vector<1x128xf32>,
    } else {
    }
    %get3A_38 = arith.constant 0 : index
    %get3A_39 = arith.constant 0 : index
    %get3A_40 = vector.load %arg9[%get3A_38, %get3A_39] : memref<1x128xf32, #tpu.memory_space<vmem>>, vector<1x128xf32>
    %reduce_sum3A = arith.constant dense<0.000000e+00> : vector<128xf32>
    %reduce_sum3A_41 = vector.multi_reduction <add>, %add3A_33, %reduce_sum3A [0] : vector<2000x128xf32> to vector<128xf32>
    %broadcast_in_dim3A = vector.shape_cast %reduce_sum3A_41 : vector<128xf32> to vector<1x128xf32>
    %add3A_42 = arith.addf %get3A_40, %broadcast_in_dim3A : vector<1x128xf32>
    %swap3A_43 = arith.constant 0 : index
    %swap3A_44 = arith.constant 0 : index
    %swap3A_45 = vector.load %arg9[%swap3A_43, %swap3A_44] : memref<1x128xf32, #tpu.memory_space<vmem>>, vector<1x128xf32>
    tpu.vector_store %arg9[%swap3A_43, %swap3A_44], %add3A_42 {strides = array<i32>} : memref<1x128xf32, #tpu.memory_space<vmem>>, vector<1x128xf32>,
    %get3A_46 = arith.constant 0 : index
    %get3A_47 = arith.constant 0 : index
    %get3A_48 = vector.load %arg10[%get3A_46, %get3A_47] : memref<1x128xf32, #tpu.memory_space<vmem>>, vector<1x128xf32>
    %mul3A = arith.mulf %add3A_33, %add3A_33 : vector<2000x128xf32>
    %reduce_sum3A_49 = arith.constant dense<0.000000e+00> : vector<128xf32>
    %reduce_sum3A_50 = vector.multi_reduction <add>, %mul3A, %reduce_sum3A_49 [0] : vector<2000x128xf32> to vector<128xf32>
    %broadcast_in_dim3A_51 = vector.shape_cast %reduce_sum3A_50 : vector<128xf32> to vector<1x128xf32>
    %add3A_52 = arith.addf %get3A_48, %broadcast_in_dim3A_51 : vector<1x128xf32>
    %swap3A_53 = arith.constant 0 : index
    %swap3A_54 = arith.constant 0 : index
    %swap3A_55 = vector.load %arg10[%swap3A_53, %swap3A_54] : memref<1x128xf32, #tpu.memory_space<vmem>>, vector<1x128xf32>
    tpu.vector_store %arg10[%swap3A_53, %swap3A_54], %add3A_52 {strides = array<i32>} : memref<1x128xf32, #tpu.memory_space<vmem>>, vector<1x128xf32>,
    return
  }
  func.func @transform_0(%arg0: i32) -> (i32, i32) {
    %c0_i32 = arith.constant 0 : i32
    %c0_i32_0 = arith.constant 0 : i32
    return %arg0, %c0_i32 : i32, i32
  }
  func.func @transform_1(%arg0: i32) -> (i32, i32, i32) {
    %c0_i32 = arith.constant 0 : i32
    %c0_i32_0 = arith.constant 0 : i32
    %c0_i32_1 = arith.constant 0 : i32
    return %c0_i32, %arg0, %c0_i32_0 : i32, i32, i32
  }
  func.func @transform_2(%arg0: i32) -> (i32, i32, i32) {
    %c1_i32 = arith.constant 1 : i32
    %c0_i32 = arith.constant 0 : i32
    %c0_i32_0 = arith.constant 0 : i32
    return %c1_i32, %arg0, %c0_i32 : i32, i32, i32
  }
  func.func @transform_3(%arg0: i32) -> (i32, i32) {
    %c0_i32 = arith.constant 0 : i32
    %c0_i32_0 = arith.constant 0 : i32
    %c0_i32_1 = arith.constant 0 : i32
    return %c0_i32, %c0_i32_0 : i32, i32
  }
  func.func @transform_4(%arg0: i32) -> (i32, i32) {
    %c0_i32 = arith.constant 0 : i32
    %c0_i32_0 = arith.constant 0 : i32
    %c0_i32_1 = arith.constant 0 : i32
    return %c0_i32, %c0_i32_0 : i32, i32
  }
  func.func @transform_5(%arg0: i32) -> (i32, i32) {
    %c0_i32 = arith.constant 0 : i32
    %c0_i32_0 = arith.constant 0 : i32
    %c0_i32_1 = arith.constant 0 : i32
    return %c0_i32, %c0_i32_0 : i32, i32
  }
  func.func @transform_6(%arg0: i32) -> (i32, i32) {
    %c0_i32 = arith.constant 0 : i32
    %c0_i32_0 = arith.constant 0 : i32
    %c0_i32_1 = arith.constant 0 : i32
    return %c0_i32, %c0_i32_0 : i32, i32
  }
  func.func @transform_7(%arg0: i32) -> (i32, i32) {
    %c0_i32 = arith.constant 0 : i32
    %c0_i32_0 = arith.constant 0 : i32
    return %arg0, %c0_i32 : i32, i32
  }
  func.func @transform_8(%arg0: i32) -> (i32, i32) {
    %c0_i32 = arith.constant 0 : i32
    %c0_i32_0 = arith.constant 0 : i32
    %c0_i32_1 = arith.constant 0 : i32
    return %c0_i32, %c0_i32_0 : i32, i32
  }
  func.func @transform_9(%arg0: i32) -> (i32, i32) {
    %c0_i32 = arith.constant 0 : i32
    %c0_i32_0 = arith.constant 0 : i32
    %c0_i32_1 = arith.constant 0 : i32
    return %c0_i32, %c0_i32_0 : i32, i32
  }
}

module attributes {stable_mosaic.version = 14 : i64} {
  func.func @_bnpool_body(%arg0: i32, %arg1: memref<2000x128xf32, #tpu.memory_space<vmem>>, %arg2: memref<1x128xf32, #tpu.memory_space<vmem>>, %arg3: memref<1x128xf32, #tpu.memory_space<vmem>>, %arg4: memref<1x128xf32, #tpu.memory_space<vmem>>, %arg5: memref<1x128xf32, #tpu.memory_space<vmem>>, %arg6: memref<1x1x2000xi32, #tpu.memory_space<vmem>>, %arg7: memref<2000x128xf32, #tpu.memory_space<vmem>>, %arg8: memref<64x128xf32, #tpu.memory_space<vmem>>, %arg9: memref<64x128xf32, #tpu.memory_space<vmem>>) attributes {dimension_semantics = [#tpu.dimension_semantics<arbitrary>], iteration_bounds = array<i64: 5>, scalar_prefetch = 0 : i64, scratch_operands = 0 : i64, tpu.core_type = #tpu.core_type<tc>, window_params = [{transform_indices = @transform_0, window_bounds = array<i64: 2000, 128>}, {pipeline_mode = #tpu.pipeline_mode<synchronous>, transform_indices = @transform_1, window_bounds = array<i64: 1, 128>}, {pipeline_mode = #tpu.pipeline_mode<synchronous>, transform_indices = @transform_2, window_bounds = array<i64: 1, 128>}, {pipeline_mode = #tpu.pipeline_mode<synchronous>, transform_indices = @transform_3, window_bounds = array<i64: 1, 128>}, {pipeline_mode = #tpu.pipeline_mode<synchronous>, transform_indices = @transform_4, window_bounds = array<i64: 1, 128>}, {transform_indices = @transform_5, window_bounds = array<i64: 1, 1, 2000>}, {transform_indices = @transform_6, window_bounds = array<i64: 2000, 128>}, {pipeline_mode = #tpu.pipeline_mode<synchronous>, transform_indices = @transform_7, window_bounds = array<i64: 64, 128>}, {pipeline_mode = #tpu.pipeline_mode<synchronous>, transform_indices = @transform_8, window_bounds = array<i64: 64, 128>}]} {
    %get3A = arith.constant 0 : index
    %get3A_0 = arith.constant 0 : index
    %get3A_1 = vector.load %arg2[%get3A, %get3A_0] : memref<1x128xf32, #tpu.memory_space<vmem>>, vector<1x128xf32>
    %div3A = arith.constant 1.000000e+04 : f32
    %div3A_2 = vector.broadcast %div3A : f32 to vector<1x128xf32>
    %div3A_3 = arith.divf %get3A_1, %div3A_2 : vector<1x128xf32>
    %get3A_4 = arith.constant 0 : index
    %get3A_5 = arith.constant 0 : index
    %get3A_6 = vector.load %arg3[%get3A_4, %get3A_5] : memref<1x128xf32, #tpu.memory_space<vmem>>, vector<1x128xf32>
    %div3A_7 = arith.constant 1.000000e+04 : f32
    %div3A_8 = vector.broadcast %div3A_7 : f32 to vector<1x128xf32>
    %div3A_9 = arith.divf %get3A_6, %div3A_8 : vector<1x128xf32>
    %mul3A = arith.mulf %div3A_3, %div3A_3 : vector<1x128xf32>
    %sub3A = arith.subf %div3A_9, %mul3A : vector<1x128xf32>
    %get3A_10 = arith.constant 0 : index
    %get3A_11 = arith.constant 0 : index
    %get3A_12 = vector.load %arg4[%get3A_10, %get3A_11] : memref<1x128xf32, #tpu.memory_space<vmem>>, vector<1x128xf32>
    %add3A = arith.constant 9.99999974E-6 : f32
    %add3A_13 = vector.broadcast %add3A : f32 to vector<1x128xf32>
    %add3A_14 = arith.addf %sub3A, %add3A_13 : vector<1x128xf32>
    %rsqrt3A = math.rsqrt %add3A_14 : vector<1x128xf32>
    %mul3A_15 = arith.mulf %get3A_12, %rsqrt3A : vector<1x128xf32>
    %get3A_16 = arith.constant 0 : index
    %get3A_17 = arith.constant 0 : index
    %get3A_18 = vector.load %arg1[%get3A_16, %get3A_17] : memref<2000x128xf32, #tpu.memory_space<vmem>>, vector<2000x128xf32>
    %sub3A_19 = vector.broadcast %div3A_3 : vector<1x128xf32> to vector<2000x128xf32>
    %sub3A_20 = arith.subf %get3A_18, %sub3A_19 : vector<2000x128xf32>
    %mul3A_21 = vector.broadcast %mul3A_15 : vector<1x128xf32> to vector<2000x128xf32>
    %mul3A_22 = arith.mulf %sub3A_20, %mul3A_21 : vector<2000x128xf32>
    %get3A_23 = arith.constant 0 : index
    %get3A_24 = arith.constant 0 : index
    %get3A_25 = vector.load %arg5[%get3A_23, %get3A_24] : memref<1x128xf32, #tpu.memory_space<vmem>>, vector<1x128xf32>
    %add3A_26 = vector.broadcast %get3A_25 : vector<1x128xf32> to vector<2000x128xf32>
    %add3A_27 = arith.addf %mul3A_22, %add3A_26 : vector<2000x128xf32>
    %max3A = arith.constant 0.000000e+00 : f32
    %max3A_28 = vector.broadcast %max3A : f32 to vector<2000x128xf32>
    %max3A_29 = arith.maximumf %add3A_27, %max3A_28 : vector<2000x128xf32>
    %swap3A = arith.constant 0 : index
    %swap3A_30 = arith.constant 0 : index
    %swap3A_31 = vector.load %arg7[%swap3A, %swap3A_30] : memref<2000x128xf32, #tpu.memory_space<vmem>>, vector<2000x128xf32>
    tpu.vector_store %arg7[%swap3A, %swap3A_30], %max3A_29 {strides = array<i32>} : memref<2000x128xf32, #tpu.memory_space<vmem>>, vector<2000x128xf32>,
    %get3A_32 = arith.constant 0 : index
    %get3A_33 = arith.constant 0 : index
    %get3A_34 = arith.constant 0 : index
    %get3A_35 = vector.load %arg6[%get3A_32, %get3A_33, %get3A_34] : memref<1x1x2000xi32, #tpu.memory_space<vmem>>, vector<1x1x2000xi32>
    %get3A_36 = vector.shape_cast %get3A_35 : vector<1x1x2000xi32> to vector<1x2000xi32>
    %iota3A = tpu.iota {dimensions = array<i32: 0>} : vector<64x2000xi32>
    %eq3A = vector.broadcast %get3A_36 : vector<1x2000xi32> to vector<64x2000xi32>
    %eq3A_37 = arith.cmpi eq, %eq3A, %iota3A : vector<64x2000xi32>
    %convert_element_type3A = arith.extui %eq3A_37 : vector<64x2000xi1> to vector<64x2000xi32>
    %convert_element_type3A_38 = arith.sitofp %convert_element_type3A : vector<64x2000xi32> to vector<64x2000xf32>
    %eq3A_39 = arith.constant 0 : i32
    %eq3A_40 = arith.cmpi eq, %arg0, %eq3A_39 : i32
    %convert_element_type3A_41 = arith.extui %eq3A_40 : i1 to i32
    %cond3A = arith.constant 0 : i32
    %cond3A_42 = arith.cmpi ne, %convert_element_type3A_41, %cond3A : i32
    scf.if %cond3A_42 {
      %broadcast_in_dim3A_61 = arith.constant 0.000000e+00 : f32
      %broadcast_in_dim3A_62 = vector.broadcast %broadcast_in_dim3A_61 : f32 to vector<64x128xf32>
      %swap3A_63 = arith.constant 0 : index
      %swap3A_64 = arith.constant 0 : index
      %swap3A_65 = vector.load %arg8[%swap3A_63, %swap3A_64] : memref<64x128xf32, #tpu.memory_space<vmem>>, vector<64x128xf32>
      tpu.vector_store %arg8[%swap3A_63, %swap3A_64], %broadcast_in_dim3A_62 {strides = array<i32>} : memref<64x128xf32, #tpu.memory_space<vmem>>, vector<64x128xf32>,
      %broadcast_in_dim3A_66 = arith.constant 0.000000e+00 : f32
      %broadcast_in_dim3A_67 = vector.broadcast %broadcast_in_dim3A_66 : f32 to vector<64x128xf32>
      %swap3A_68 = arith.constant 0 : index
      %swap3A_69 = arith.constant 0 : index
      %swap3A_70 = vector.load %arg9[%swap3A_68, %swap3A_69] : memref<64x128xf32, #tpu.memory_space<vmem>>, vector<64x128xf32>
      tpu.vector_store %arg9[%swap3A_68, %swap3A_69], %broadcast_in_dim3A_67 {strides = array<i32>} : memref<64x128xf32, #tpu.memory_space<vmem>>, vector<64x128xf32>,
    } else {
    }
    %get3A_43 = arith.constant 0 : index
    %get3A_44 = arith.constant 0 : index
    %get3A_45 = vector.load %arg8[%get3A_43, %get3A_44] : memref<64x128xf32, #tpu.memory_space<vmem>>, vector<64x128xf32>
    %dot_general3A = arith.constant dense<0.000000e+00> : vector<64x128xf32>
    %dot_general3A_46 = tpu.matmul %convert_element_type3A_38, %max3A_29, %dot_general3A {dimension_numbers = #tpu.dot_dimension_numbers<[1], [0], [0], [1], [0, 0, 1, 1], [], []>, transpose_lhs_hint = false} : vector<64x2000xf32>, vector<2000x128xf32>, vector<64x128xf32> -> vector<64x128xf32>
    %add3A_47 = arith.addf %get3A_45, %dot_general3A_46 : vector<64x128xf32>
    %swap3A_48 = arith.constant 0 : index
    %swap3A_49 = arith.constant 0 : index
    %swap3A_50 = vector.load %arg8[%swap3A_48, %swap3A_49] : memref<64x128xf32, #tpu.memory_space<vmem>>, vector<64x128xf32>
    tpu.vector_store %arg8[%swap3A_48, %swap3A_49], %add3A_47 {strides = array<i32>} : memref<64x128xf32, #tpu.memory_space<vmem>>, vector<64x128xf32>,
    %get3A_51 = arith.constant 0 : index
    %get3A_52 = arith.constant 0 : index
    %get3A_53 = vector.load %arg9[%get3A_51, %get3A_52] : memref<64x128xf32, #tpu.memory_space<vmem>>, vector<64x128xf32>
    %reduce_sum3A = arith.constant dense<0.000000e+00> : vector<64xf32>
    %reduce_sum3A_54 = vector.multi_reduction <add>, %convert_element_type3A_38, %reduce_sum3A [1] : vector<64x2000xf32> to vector<64xf32>
    %broadcast_in_dim3A = vector.shape_cast %reduce_sum3A_54 : vector<64xf32> to vector<64x1xf32>
    %broadcast_in_dim3A_55 = vector.shape_cast %broadcast_in_dim3A : vector<64x1xf32> to vector<64x1xf32>
    %broadcast_in_dim3A_56 = vector.broadcast %broadcast_in_dim3A_55 : vector<64x1xf32> to vector<64x128xf32>
    %add3A_57 = arith.addf %get3A_53, %broadcast_in_dim3A_56 : vector<64x128xf32>
    %swap3A_58 = arith.constant 0 : index
    %swap3A_59 = arith.constant 0 : index
    %swap3A_60 = vector.load %arg9[%swap3A_58, %swap3A_59] : memref<64x128xf32, #tpu.memory_space<vmem>>, vector<64x128xf32>
    tpu.vector_store %arg9[%swap3A_58, %swap3A_59], %add3A_57 {strides = array<i32>} : memref<64x128xf32, #tpu.memory_space<vmem>>, vector<64x128xf32>,
    return
  }
  func.func @transform_0(%arg0: i32) -> (i32, i32) {
    %c0_i32 = arith.constant 0 : i32
    %c0_i32_0 = arith.constant 0 : i32
    return %arg0, %c0_i32 : i32, i32
  }
  func.func @transform_1(%arg0: i32) -> (i32, i32) {
    %c0_i32 = arith.constant 0 : i32
    %c0_i32_0 = arith.constant 0 : i32
    %c0_i32_1 = arith.constant 0 : i32
    return %c0_i32, %c0_i32_0 : i32, i32
  }
  func.func @transform_2(%arg0: i32) -> (i32, i32) {
    %c0_i32 = arith.constant 0 : i32
    %c0_i32_0 = arith.constant 0 : i32
    %c0_i32_1 = arith.constant 0 : i32
    return %c0_i32, %c0_i32_0 : i32, i32
  }
  func.func @transform_3(%arg0: i32) -> (i32, i32) {
    %c0_i32 = arith.constant 0 : i32
    %c0_i32_0 = arith.constant 0 : i32
    %c0_i32_1 = arith.constant 0 : i32
    return %c0_i32, %c0_i32_0 : i32, i32
  }
  func.func @transform_4(%arg0: i32) -> (i32, i32) {
    %c0_i32 = arith.constant 0 : i32
    %c0_i32_0 = arith.constant 0 : i32
    %c0_i32_1 = arith.constant 0 : i32
    return %c0_i32, %c0_i32_0 : i32, i32
  }
  func.func @transform_5(%arg0: i32) -> (i32, i32, i32) {
    %c0_i32 = arith.constant 0 : i32
    %c0_i32_0 = arith.constant 0 : i32
    %c0_i32_1 = arith.constant 0 : i32
    return %arg0, %c0_i32, %c0_i32_0 : i32, i32, i32
  }
  func.func @transform_6(%arg0: i32) -> (i32, i32) {
    %c0_i32 = arith.constant 0 : i32
    %c0_i32_0 = arith.constant 0 : i32
    return %arg0, %c0_i32 : i32, i32
  }
  func.func @transform_7(%arg0: i32) -> (i32, i32) {
    %c0_i32 = arith.constant 0 : i32
    %c0_i32_0 = arith.constant 0 : i32
    %c0_i32_1 = arith.constant 0 : i32
    return %c0_i32, %c0_i32_0 : i32, i32
  }
  func.func @transform_8(%arg0: i32) -> (i32, i32) {
    %c0_i32 = arith.constant 0 : i32
    %c0_i32_0 = arith.constant 0 : i32
    %c0_i32_1 = arith.constant 0 : i32
    return %c0_i32, %c0_i32_0 : i32, i32
  }
}

module attributes {stable_mosaic.version = 14 : i64} {
  func.func @_bnpool_body(%arg0: i32, %arg1: memref<2000x128xf32, #tpu.memory_space<vmem>>, %arg2: memref<1x128xf32, #tpu.memory_space<vmem>>, %arg3: memref<1x128xf32, #tpu.memory_space<vmem>>, %arg4: memref<1x128xf32, #tpu.memory_space<vmem>>, %arg5: memref<1x128xf32, #tpu.memory_space<vmem>>, %arg6: memref<1x1x2000xi32, #tpu.memory_space<vmem>>, %arg7: memref<2000x128xf32, #tpu.memory_space<vmem>>, %arg8: memref<64x128xf32, #tpu.memory_space<vmem>>, %arg9: memref<64x128xf32, #tpu.memory_space<vmem>>) attributes {dimension_semantics = [#tpu.dimension_semantics<arbitrary>], iteration_bounds = array<i64: 5>, scalar_prefetch = 0 : i64, scratch_operands = 0 : i64, tpu.core_type = #tpu.core_type<tc>, window_params = [{transform_indices = @transform_0, window_bounds = array<i64: 2000, 128>}, {pipeline_mode = #tpu.pipeline_mode<synchronous>, transform_indices = @transform_1, window_bounds = array<i64: 1, 128>}, {pipeline_mode = #tpu.pipeline_mode<synchronous>, transform_indices = @transform_2, window_bounds = array<i64: 1, 128>}, {pipeline_mode = #tpu.pipeline_mode<synchronous>, transform_indices = @transform_3, window_bounds = array<i64: 1, 128>}, {pipeline_mode = #tpu.pipeline_mode<synchronous>, transform_indices = @transform_4, window_bounds = array<i64: 1, 128>}, {transform_indices = @transform_5, window_bounds = array<i64: 1, 1, 2000>}, {transform_indices = @transform_6, window_bounds = array<i64: 2000, 128>}, {pipeline_mode = #tpu.pipeline_mode<synchronous>, transform_indices = @transform_7, window_bounds = array<i64: 64, 128>}, {pipeline_mode = #tpu.pipeline_mode<synchronous>, transform_indices = @transform_8, window_bounds = array<i64: 64, 128>}]} {
    %get3A = arith.constant 0 : index
    %get3A_0 = arith.constant 0 : index
    %get3A_1 = vector.load %arg2[%get3A, %get3A_0] : memref<1x128xf32, #tpu.memory_space<vmem>>, vector<1x128xf32>
    %div3A = arith.constant 1.000000e+04 : f32
    %div3A_2 = vector.broadcast %div3A : f32 to vector<1x128xf32>
    %div3A_3 = arith.divf %get3A_1, %div3A_2 : vector<1x128xf32>
    %get3A_4 = arith.constant 0 : index
    %get3A_5 = arith.constant 0 : index
    %get3A_6 = vector.load %arg3[%get3A_4, %get3A_5] : memref<1x128xf32, #tpu.memory_space<vmem>>, vector<1x128xf32>
    %div3A_7 = arith.constant 1.000000e+04 : f32
    %div3A_8 = vector.broadcast %div3A_7 : f32 to vector<1x128xf32>
    %div3A_9 = arith.divf %get3A_6, %div3A_8 : vector<1x128xf32>
    %mul3A = arith.mulf %div3A_3, %div3A_3 : vector<1x128xf32>
    %sub3A = arith.subf %div3A_9, %mul3A : vector<1x128xf32>
    %get3A_10 = arith.constant 0 : index
    %get3A_11 = arith.constant 0 : index
    %get3A_12 = vector.load %arg4[%get3A_10, %get3A_11] : memref<1x128xf32, #tpu.memory_space<vmem>>, vector<1x128xf32>
    %add3A = arith.constant 9.99999974E-6 : f32
    %add3A_13 = vector.broadcast %add3A : f32 to vector<1x128xf32>
    %add3A_14 = arith.addf %sub3A, %add3A_13 : vector<1x128xf32>
    %rsqrt3A = math.rsqrt %add3A_14 : vector<1x128xf32>
    %mul3A_15 = arith.mulf %get3A_12, %rsqrt3A : vector<1x128xf32>
    %get3A_16 = arith.constant 0 : index
    %get3A_17 = arith.constant 0 : index
    %get3A_18 = vector.load %arg1[%get3A_16, %get3A_17] : memref<2000x128xf32, #tpu.memory_space<vmem>>, vector<2000x128xf32>
    %sub3A_19 = vector.broadcast %div3A_3 : vector<1x128xf32> to vector<2000x128xf32>
    %sub3A_20 = arith.subf %get3A_18, %sub3A_19 : vector<2000x128xf32>
    %mul3A_21 = vector.broadcast %mul3A_15 : vector<1x128xf32> to vector<2000x128xf32>
    %mul3A_22 = arith.mulf %sub3A_20, %mul3A_21 : vector<2000x128xf32>
    %get3A_23 = arith.constant 0 : index
    %get3A_24 = arith.constant 0 : index
    %get3A_25 = vector.load %arg5[%get3A_23, %get3A_24] : memref<1x128xf32, #tpu.memory_space<vmem>>, vector<1x128xf32>
    %add3A_26 = vector.broadcast %get3A_25 : vector<1x128xf32> to vector<2000x128xf32>
    %add3A_27 = arith.addf %mul3A_22, %add3A_26 : vector<2000x128xf32>
    %max3A = arith.constant 0.000000e+00 : f32
    %max3A_28 = vector.broadcast %max3A : f32 to vector<2000x128xf32>
    %max3A_29 = arith.maximumf %add3A_27, %max3A_28 : vector<2000x128xf32>
    %swap3A = arith.constant 0 : index
    %swap3A_30 = arith.constant 0 : index
    %swap3A_31 = vector.load %arg7[%swap3A, %swap3A_30] : memref<2000x128xf32, #tpu.memory_space<vmem>>, vector<2000x128xf32>
    tpu.vector_store %arg7[%swap3A, %swap3A_30], %max3A_29 {strides = array<i32>} : memref<2000x128xf32, #tpu.memory_space<vmem>>, vector<2000x128xf32>,
    %get3A_32 = arith.constant 0 : index
    %get3A_33 = arith.constant 0 : index
    %get3A_34 = arith.constant 0 : index
    %get3A_35 = vector.load %arg6[%get3A_32, %get3A_33, %get3A_34] : memref<1x1x2000xi32, #tpu.memory_space<vmem>>, vector<1x1x2000xi32>
    %get3A_36 = vector.shape_cast %get3A_35 : vector<1x1x2000xi32> to vector<1x2000xi32>
    %iota3A = tpu.iota {dimensions = array<i32: 0>} : vector<64x2000xi32>
    %eq3A = vector.broadcast %get3A_36 : vector<1x2000xi32> to vector<64x2000xi32>
    %eq3A_37 = arith.cmpi eq, %eq3A, %iota3A : vector<64x2000xi32>
    %convert_element_type3A = arith.extui %eq3A_37 : vector<64x2000xi1> to vector<64x2000xi32>
    %convert_element_type3A_38 = arith.sitofp %convert_element_type3A : vector<64x2000xi32> to vector<64x2000xf32>
    %eq3A_39 = arith.constant 0 : i32
    %eq3A_40 = arith.cmpi eq, %arg0, %eq3A_39 : i32
    %convert_element_type3A_41 = arith.extui %eq3A_40 : i1 to i32
    %cond3A = arith.constant 0 : i32
    %cond3A_42 = arith.cmpi ne, %convert_element_type3A_41, %cond3A : i32
    scf.if %cond3A_42 {
      %broadcast_in_dim3A_61 = arith.constant 0.000000e+00 : f32
      %broadcast_in_dim3A_62 = vector.broadcast %broadcast_in_dim3A_61 : f32 to vector<64x128xf32>
      %swap3A_63 = arith.constant 0 : index
      %swap3A_64 = arith.constant 0 : index
      %swap3A_65 = vector.load %arg8[%swap3A_63, %swap3A_64] : memref<64x128xf32, #tpu.memory_space<vmem>>, vector<64x128xf32>
      tpu.vector_store %arg8[%swap3A_63, %swap3A_64], %broadcast_in_dim3A_62 {strides = array<i32>} : memref<64x128xf32, #tpu.memory_space<vmem>>, vector<64x128xf32>,
      %broadcast_in_dim3A_66 = arith.constant 0.000000e+00 : f32
      %broadcast_in_dim3A_67 = vector.broadcast %broadcast_in_dim3A_66 : f32 to vector<64x128xf32>
      %swap3A_68 = arith.constant 0 : index
      %swap3A_69 = arith.constant 0 : index
      %swap3A_70 = vector.load %arg9[%swap3A_68, %swap3A_69] : memref<64x128xf32, #tpu.memory_space<vmem>>, vector<64x128xf32>
      tpu.vector_store %arg9[%swap3A_68, %swap3A_69], %broadcast_in_dim3A_67 {strides = array<i32>} : memref<64x128xf32, #tpu.memory_space<vmem>>, vector<64x128xf32>,
    } else {
    }
    %get3A_43 = arith.constant 0 : index
    %get3A_44 = arith.constant 0 : index
    %get3A_45 = vector.load %arg8[%get3A_43, %get3A_44] : memref<64x128xf32, #tpu.memory_space<vmem>>, vector<64x128xf32>
    %dot_general3A = arith.constant dense<0.000000e+00> : vector<64x128xf32>
    %dot_general3A_46 = tpu.matmul %convert_element_type3A_38, %max3A_29, %dot_general3A {dimension_numbers = #tpu.dot_dimension_numbers<[1], [0], [0], [1], [0, 0, 1, 1], [], []>, transpose_lhs_hint = false} : vector<64x2000xf32>, vector<2000x128xf32>, vector<64x128xf32> -> vector<64x128xf32>
    %add3A_47 = arith.addf %get3A_45, %dot_general3A_46 : vector<64x128xf32>
    %swap3A_48 = arith.constant 0 : index
    %swap3A_49 = arith.constant 0 : index
    %swap3A_50 = vector.load %arg8[%swap3A_48, %swap3A_49] : memref<64x128xf32, #tpu.memory_space<vmem>>, vector<64x128xf32>
    tpu.vector_store %arg8[%swap3A_48, %swap3A_49], %add3A_47 {strides = array<i32>} : memref<64x128xf32, #tpu.memory_space<vmem>>, vector<64x128xf32>,
    %get3A_51 = arith.constant 0 : index
    %get3A_52 = arith.constant 0 : index
    %get3A_53 = vector.load %arg9[%get3A_51, %get3A_52] : memref<64x128xf32, #tpu.memory_space<vmem>>, vector<64x128xf32>
    %reduce_sum3A = arith.constant dense<0.000000e+00> : vector<64xf32>
    %reduce_sum3A_54 = vector.multi_reduction <add>, %convert_element_type3A_38, %reduce_sum3A [1] : vector<64x2000xf32> to vector<64xf32>
    %broadcast_in_dim3A = vector.shape_cast %reduce_sum3A_54 : vector<64xf32> to vector<64x1xf32>
    %broadcast_in_dim3A_55 = vector.shape_cast %broadcast_in_dim3A : vector<64x1xf32> to vector<64x1xf32>
    %broadcast_in_dim3A_56 = vector.broadcast %broadcast_in_dim3A_55 : vector<64x1xf32> to vector<64x128xf32>
    %add3A_57 = arith.addf %get3A_53, %broadcast_in_dim3A_56 : vector<64x128xf32>
    %swap3A_58 = arith.constant 0 : index
    %swap3A_59 = arith.constant 0 : index
    %swap3A_60 = vector.load %arg9[%swap3A_58, %swap3A_59] : memref<64x128xf32, #tpu.memory_space<vmem>>, vector<64x128xf32>
    tpu.vector_store %arg9[%swap3A_58, %swap3A_59], %add3A_57 {strides = array<i32>} : memref<64x128xf32, #tpu.memory_space<vmem>>, vector<64x128xf32>,
    return
  }
  func.func @transform_0(%arg0: i32) -> (i32, i32) {
    %c0_i32 = arith.constant 0 : i32
    %c0_i32_0 = arith.constant 0 : i32
    return %arg0, %c0_i32 : i32, i32
  }
  func.func @transform_1(%arg0: i32) -> (i32, i32) {
    %c0_i32 = arith.constant 0 : i32
    %c0_i32_0 = arith.constant 0 : i32
    %c0_i32_1 = arith.constant 0 : i32
    return %c0_i32, %c0_i32_0 : i32, i32
  }
  func.func @transform_2(%arg0: i32) -> (i32, i32) {
    %c0_i32 = arith.constant 0 : i32
    %c0_i32_0 = arith.constant 0 : i32
    %c0_i32_1 = arith.constant 0 : i32
    return %c0_i32, %c0_i32_0 : i32, i32
  }
  func.func @transform_3(%arg0: i32) -> (i32, i32) {
    %c0_i32 = arith.constant 0 : i32
    %c0_i32_0 = arith.constant 0 : i32
    %c0_i32_1 = arith.constant 0 : i32
    return %c0_i32, %c0_i32_0 : i32, i32
  }
  func.func @transform_4(%arg0: i32) -> (i32, i32) {
    %c0_i32 = arith.constant 0 : i32
    %c0_i32_0 = arith.constant 0 : i32
    %c0_i32_1 = arith.constant 0 : i32
    return %c0_i32, %c0_i32_0 : i32, i32
  }
  func.func @transform_5(%arg0: i32) -> (i32, i32, i32) {
    %c0_i32 = arith.constant 0 : i32
    %c0_i32_0 = arith.constant 0 : i32
    %c0_i32_1 = arith.constant 0 : i32
    return %arg0, %c0_i32, %c0_i32_0 : i32, i32, i32
  }
  func.func @transform_6(%arg0: i32) -> (i32, i32) {
    %c0_i32 = arith.constant 0 : i32
    %c0_i32_0 = arith.constant 0 : i32
    return %arg0, %c0_i32 : i32, i32
  }
  func.func @transform_7(%arg0: i32) -> (i32, i32) {
    %c0_i32 = arith.constant 0 : i32
    %c0_i32_0 = arith.constant 0 : i32
    %c0_i32_1 = arith.constant 0 : i32
    return %c0_i32, %c0_i32_0 : i32, i32
  }
  func.func @transform_8(%arg0: i32) -> (i32, i32) {
    %c0_i32 = arith.constant 0 : i32
    %c0_i32_0 = arith.constant 0 : i32
    %c0_i32_1 = arith.constant 0 : i32
    return %c0_i32, %c0_i32_0 : i32, i32
  }
}

module attributes {stable_mosaic.version = 14 : i64} {
  func.func @_final_body(%arg0: memref<64x128xf32, #tpu.memory_space<vmem>>, %arg1: memref<64x128xf32, #tpu.memory_space<vmem>>, %arg2: memref<64x128xf32, #tpu.memory_space<vmem>>, %arg3: memref<64x128xf32, #tpu.memory_space<vmem>>, %arg4: memref<3x128x128xf32, #tpu.memory_space<vmem>>, %arg5: memref<1x128xf32, #tpu.memory_space<vmem>>, %arg6: memref<64x128xf32, #tpu.memory_space<vmem>>) attributes {dimension_semantics = [], scalar_prefetch = 0 : i64, scratch_operands = 0 : i64, tpu.core_type = #tpu.core_type<tc>} {
    %get3A = arith.constant 0 : index
    %get3A_0 = arith.constant 0 : index
    %get3A_1 = vector.load %arg3[%get3A, %get3A_0] : memref<64x128xf32, #tpu.memory_space<vmem>>, vector<64x128xf32>
    %max3A = arith.constant 1.000000e+00 : f32
    %max3A_2 = vector.broadcast %max3A : f32 to vector<64x128xf32>
    %max3A_3 = arith.maximumf %get3A_1, %max3A_2 : vector<64x128xf32>
    %get3A_4 = arith.constant 0 : index
    %get3A_5 = arith.constant 0 : index
    %get3A_6 = vector.load %arg0[%get3A_4, %get3A_5] : memref<64x128xf32, #tpu.memory_space<vmem>>, vector<64x128xf32>
    %div3A = arith.divf %get3A_6, %max3A_3 : vector<64x128xf32>
    %get3A_7 = arith.constant 0 : index
    %get3A_8 = arith.constant 0 : index
    %get3A_9 = arith.constant 0 : index
    %get3A_10 = vector.load %arg4[%get3A_7, %get3A_8, %get3A_9] : memref<3x128x128xf32, #tpu.memory_space<vmem>>, vector<1x128x128xf32>
    %get3A_11 = vector.shape_cast %get3A_10 : vector<1x128x128xf32> to vector<128x128xf32>
    %dot_general3A = arith.constant dense<0.000000e+00> : vector<64x128xf32>
    %dot_general3A_12 = tpu.matmul %div3A, %get3A_11, %dot_general3A {dimension_numbers = #tpu.dot_dimension_numbers<[1], [0], [0], [1], [0, 0, 1, 1], [], []>, transpose_lhs_hint = false} : vector<64x128xf32>, vector<128x128xf32>, vector<64x128xf32> -> vector<64x128xf32>
    %get3A_13 = arith.constant 0 : index
    %get3A_14 = arith.constant 0 : index
    %get3A_15 = vector.load %arg1[%get3A_13, %get3A_14] : memref<64x128xf32, #tpu.memory_space<vmem>>, vector<64x128xf32>
    %div3A_16 = arith.divf %get3A_15, %max3A_3 : vector<64x128xf32>
    %get3A_17 = arith.constant 1 : index
    %get3A_18 = arith.constant 0 : index
    %get3A_19 = arith.constant 0 : index
    %get3A_20 = vector.load %arg4[%get3A_17, %get3A_18, %get3A_19] : memref<3x128x128xf32, #tpu.memory_space<vmem>>, vector<1x128x128xf32>
    %get3A_21 = vector.shape_cast %get3A_20 : vector<1x128x128xf32> to vector<128x128xf32>
    %dot_general3A_22 = arith.constant dense<0.000000e+00> : vector<64x128xf32>
    %dot_general3A_23 = tpu.matmul %div3A_16, %get3A_21, %dot_general3A_22 {dimension_numbers = #tpu.dot_dimension_numbers<[1], [0], [0], [1], [0, 0, 1, 1], [], []>, transpose_lhs_hint = false} : vector<64x128xf32>, vector<128x128xf32>, vector<64x128xf32> -> vector<64x128xf32>
    %add3A = arith.addf %dot_general3A_12, %dot_general3A_23 : vector<64x128xf32>
    %get3A_24 = arith.constant 0 : index
    %get3A_25 = arith.constant 0 : index
    %get3A_26 = vector.load %arg2[%get3A_24, %get3A_25] : memref<64x128xf32, #tpu.memory_space<vmem>>, vector<64x128xf32>
    %div3A_27 = arith.divf %get3A_26, %max3A_3 : vector<64x128xf32>
    %get3A_28 = arith.constant 2 : index
    %get3A_29 = arith.constant 0 : index
    %get3A_30 = arith.constant 0 : index
    %get3A_31 = vector.load %arg4[%get3A_28, %get3A_29, %get3A_30] : memref<3x128x128xf32, #tpu.memory_space<vmem>>, vector<1x128x128xf32>
    %get3A_32 = vector.shape_cast %get3A_31 : vector<1x128x128xf32> to vector<128x128xf32>
    %dot_general3A_33 = arith.constant dense<0.000000e+00> : vector<64x128xf32>
    %dot_general3A_34 = tpu.matmul %div3A_27, %get3A_32, %dot_general3A_33 {dimension_numbers = #tpu.dot_dimension_numbers<[1], [0], [0], [1], [0, 0, 1, 1], [], []>, transpose_lhs_hint = false} : vector<64x128xf32>, vector<128x128xf32>, vector<64x128xf32> -> vector<64x128xf32>
    %add3A_35 = arith.addf %add3A, %dot_general3A_34 : vector<64x128xf32>
    %get3A_36 = arith.constant 0 : index
    %get3A_37 = arith.constant 0 : index
    %get3A_38 = vector.load %arg5[%get3A_36, %get3A_37] : memref<1x128xf32, #tpu.memory_space<vmem>>, vector<1x128xf32>
    %add3A_39 = vector.broadcast %get3A_38 : vector<1x128xf32> to vector<64x128xf32>
    %add3A_40 = arith.addf %add3A_35, %add3A_39 : vector<64x128xf32>
    %mul3A = arith.mulf %add3A_40, %add3A_40 : vector<64x128xf32>
    %reduce_sum3A = arith.constant dense<0.000000e+00> : vector<64xf32>
    %reduce_sum3A_41 = vector.multi_reduction <add>, %mul3A, %reduce_sum3A [1] : vector<64x128xf32> to vector<64xf32>
    %broadcast_in_dim3A = vector.shape_cast %reduce_sum3A_41 : vector<64xf32> to vector<64x1xf32>
    %sqrt3A = math.sqrt %broadcast_in_dim3A : vector<64x1xf32>
    %max3A_42 = arith.constant 9.99999996E-13 : f32
    %max3A_43 = vector.broadcast %max3A_42 : f32 to vector<64x1xf32>
    %max3A_44 = arith.maximumf %sqrt3A, %max3A_43 : vector<64x1xf32>
    %div3A_45 = vector.broadcast %max3A_44 : vector<64x1xf32> to vector<64x128xf32>
    %div3A_46 = arith.divf %add3A_40, %div3A_45 : vector<64x128xf32>
    %swap3A = arith.constant 0 : index
    %swap3A_47 = arith.constant 0 : index
    %swap3A_48 = vector.load %arg6[%swap3A, %swap3A_47] : memref<64x128xf32, #tpu.memory_space<vmem>>, vector<64x128xf32>
    tpu.vector_store %arg6[%swap3A, %swap3A_47], %div3A_46 {strides = array<i32>} : memref<64x128xf32, #tpu.memory_space<vmem>>, vector<64x128xf32>,
    return
  }
}

</mosaic_0001>

<sc_bundles>
// kernel: kernel.12.cloned.1.call-start
scs
__scs_entry_jumppad:
0x0: {  	(pc) =	sbr.rel $0x88, $3  }
0x1: {  	(tag) =	ssettag $0x0;
	lr =	simm.s32 $0x1  }
0x2: {  	[smem:$0x3F8A] =	sst lr;
	_ =	strace $0xD0000000  }
0x3: {  	_ = 	snop  }
0x4: {  	_ = 	snop  }
0x5: {  	_ = 	snop  }
0x6: {  	_ = 	snop  }
0x7: {  	_ = 	snop  }
__scs_overlays_trampoline_lowered:
0x8: {  	[smem:$0x3F99] =	sst s0  }
0x9: {  	[smem:$0x3F9A] =	sst s1  }
0xa: {  	[smem:$0x3F9B] =	sst s2  }
0xb: {  	[smem:$0x3F9C] =	sst s3  }
0xc: {  	[smem:$0x3F9D] =	sst s4  }
0xd: {  	[smem:$0x3F9E] =	sst s5  }
0xe: {  	[smem:$0x3F9F] =	sst s6  }
0xf: {  	[smem:$0x3FA0] =	sst s7  }
0x10: {  	[smem:$0x3FA1] =	sst s8  }
0x11: {  	[smem:$0x3FA2] =	sst s9;
	s0 =	simm.s32 @!p0 $0x0  }
0x12: {  	s1 =	sld [smem:$0x3F88];
	s0 =	simm.s32 @p0 $0x1  }
0x13: {  	[smem:$0x3FA3] =	sst s0;
	s0 =	simm.s32 @!p1 $0x0  }
0x14: {  	s2 =	sld [smem:$0x3F87];
	s0 =	simm.s32 @p1 $0x1  }
0x15: {  	[smem:$0x3FA4] =	sst s0;
	s0 =	simm.s32 @!p2 $0x0  }
0x16: {  	s3 =	sld [smem:$0x3FDB];
	s0 =	simm.s32 @p2 $0x1  }
0x17: {  	s4 =	simm.s32 $0x1BF5;
	[smem:$0x3FA6] =	sst s0  }
0x18: {  	s0 =	sld [smem:$0x3F89];
	_ =	swait.ge [sflag:s4], $0x0  }
0x19: {  	s7 =	sld [smem:$0x3F8A]  }
0x1a: {  	s8 =	sadd.s32 $0xFFFFE003, lr  }
0x1b: {  	s9 =	sadd.s32 $0xFFFFFEF7, lr;
	s5 =	simm.s32 $0xFFFFFFFF;
	p2 =	slt.u32 s8, $0xFFFFF086  }
0x1c: {  	p1 =	slt.u32 s9, $0xF7A;
	s5 =	simm.s32 @!p2 $0x0  }
0x1d: {  	s5 =	simm.s32 @p1 $0x1;
	p0 =	seq.s32 s7, s2  }
0x1e: {  	s7 =	smul.u32 @!p0 $0xF7A, s2;
	p2 =	seq.s32 @!p0 s5, $0x0  }
0x1f: {  	s9 =	smul.u32 $0xF7A, s1;
	s8 =	simm.s32 @!p0 $0x1BF5;
	p2 =	por !p2, p0  }
0x20: {  	[sflag:s8] =	ssyncset.s32 @!p0 $0xFFFFF086;
	s6 =	sadd.s32 @!p0 s3, s7;
	s7 =	simm.s32 @!p0 $0x108  }
0x21: {  	s3 =	sadd.s32 s3, s9;
	s6 =	sadd.s32 @!p0 $0x88, s6;
	s7 =	simm.s32 @p2 $0x1082  }
0x22: {  	[simem:s7], [sflag:s8] =	dma.local @!p0 [hbm:s6], $0xF7A  }
0x23: {  	s9 =	sor.u32 $0xD0000000, s2;
	s6 =	simm.s32 $0x108;
	_ =	swait.ge @!p0 [sflag:s8], $0x0  }
0x24: {  	s3 =	sadd.s32 $0x88, s3;
	s6 =	simm.s32 @!p1 $0x1082;
	[sflag:s4] =	ssyncset.s32 $0xFFFFF086  }
0x25: {  	[simem:s6], [sflag:s4] =	dma.local [hbm:s3], $0xF7A  }
0x26: {  	[smem:$0x3F8A] =	sst s1;
	(tag) =	ssettag s2;
	_ =	strace s9  }
0x27: {  	s1 =	sld [smem:$0x3F9A]  }
0x28: {  	s2 =	sld [smem:$0x3F9B]  }
0x29: {  	s4 =	sld [smem:$0x3F9D]  }
0x2a: {  	p0 =	seq.s32 s5, $0x0;
	s5 =	sld [smem:$0x3F9E]  }
0x2b: {  	s6 =	sld [smem:$0x3F9F]  }
0x2c: {  	s7 =	sld [smem:$0x3FA0]  }
0x2d: {  	s3 =	simm.s32 $0x108;
	s8 =	sld [smem:$0x3FA1]  }
0x2e: {  	s3 =	simm.s32 @!p0 $0x1082;
	s9 =	sld [smem:$0x3FA2]  }
0x2f: {  	lr =	sadd.s32 s0, s3;
	s0 =	sld [smem:$0x3F99]  }
0x30: {  	s3 =	sld [smem:$0x3F9C]  }
0x31: {  	[smem:$0x3FA5] =	sst s10  }
0x32: {  	s10 =	sld [smem:$0x3FA3];
	_ =	sdelay $0x3  }
0x33: {  	p0 =	seq.s32 s10, $0x1;
	s10 =	sld [smem:$0x3FA5];
	_ =	sdelay $0x3  }
0x34: {  	[smem:$0x3FA5] =	sst s10  }
0x35: {  	s10 =	sld [smem:$0x3FA4];
	_ =	sdelay $0x3  }
0x36: {  	p1 =	seq.s32 s10, $0x1;
	s10 =	sld [smem:$0x3FA5];
	_ =	sdelay $0x3  }
0x37: {  	[smem:$0x3FA5] =	sst s10  }
0x38: {  	s10 =	sld [smem:$0x3FA6]  }
0x39: {  	_ = 	snop;
	(pc) =	sbr.ind lr, $3  }
0x3a: {  	_ = 	snop  }
0x3b: {  	_ = 	snop  }
0x3c: {  	p2 =	seq.s32 s10, $0x1;
	s10 =	sld [smem:$0x3FA5]  }
0x3d: {  	_ =	shalt  }
0x3e: {  	_ =	shalt  }
0x3f: {  	_ =	shalt  }
0x40: {  	_ =	shalt  }
0x41: {  	_ =	shalt  }
0x42: {  	_ =	shalt  }
0x43: {  	_ =	shalt  }
0x44: {  	_ =	shalt  }
0x45: {  	_ =	shalt  }
0x46: {  	_ =	shalt  }
0x47: {  	_ =	shalt  }
0x48: {  	_ =	shalt  }
0x49: {  	_ =	shalt  }
0x4a: {  	_ =	shalt  }
0x4b: {  	_ =	shalt  }
0x4c: {  	_ =	shalt  }
0x4d: {  	_ =	shalt  }
0x4e: {  	_ =	shalt  }
0x4f: {  	_ =	shalt  }
0x50: {  	_ =	shalt  }
0x51: {  	_ =	shalt  }
0x52: {  	_ =	shalt  }
0x53: {  	_ =	shalt  }
0x54: {  	_ =	shalt  }
0x55: {  	_ =	shalt  }
0x56: {  	_ =	shalt  }
0x57: {  	_ =	shalt  }
0x58: {  	_ =	shalt  }
0x59: {  	_ =	shalt  }
0x5a: {  	_ =	shalt  }
0x5b: {  	_ =	shalt  }
0x5c: {  	_ =	shalt  }
0x5d: {  	_ =	shalt  }
0x5e: {  	_ =	shalt  }
0x5f: {  	_ =	shalt  }
0x60: {  	_ =	shalt  }
0x61: {  	_ =	shalt  }
0x62: {  	_ =	shalt  }
0x63: {  	_ =	shalt  }
0x64: {  	_ =	shalt  }
0x65: {  	_ =	shalt  }
0x66: {  	_ =	shalt  }
0x67: {  	_ =	shalt  }
0x68: {  	_ =	shalt  }
0x69: {  	_ =	shalt  }
0x6a: {  	_ =	shalt  }
0x6b: {  	_ =	shalt  }
0x6c: {  	_ =	shalt  }
0x6d: {  	_ =	shalt  }
0x6e: {  	_ =	shalt  }
0x6f: {  	_ =	shalt  }
0x70: {  	_ =	shalt  }
0x71: {  	_ =	shalt  }
0x72: {  	_ =	shalt  }
0x73: {  	_ =	shalt  }
0x74: {  	_ =	shalt  }
0x75: {  	_ =	shalt  }
0x76: {  	_ =	shalt  }
0x77: {  	_ =	shalt  }
0x78: {  	_ =	shalt  }
0x79: {  	_ =	shalt  }
0x7a: {  	_ =	shalt  }
0x7b: {  	_ =	shalt  }
0x7c: {  	_ =	shalt  }
0x7d: {  	_ =	shalt  }
0x7e: {  	_ =	shalt  }
0x7f: {  	_ =	shalt  }
0x80: {  	_ =	shalt  }
0x81: {  	_ =	shalt  }
0x82: {  	_ =	shalt  }
0x83: {  	_ =	shalt  }
0x84: {  	_ =	shalt  }
0x85: {  	_ =	shalt  }
0x86: {  	_ =	shalt  }
0x87: {  	_ =	shalt  }
.Lfunc_end0:
.L_simem_size_0:
called_computation_lowered:
.L_overlay_start_0:
0x88: {  	s2 =	sld [smem:$0x3FD9]  }
0x89: {  	s3 =	sld [smem:$0x3FFE];
	_ =	sdelay $0x1  }
0x8a: {  	s1 =	srdreg.scid  }
0x8b: {  	s0 =	sand.u32 $0x1, s1  }
0x8c: {  	s17 =	sshll.u32 s0, $0xA;
	s2 =	sadd.s32 s3, s2  }
0x8d: {  	s2 =	sadd.s32 s2, s17  }
0x8e: {  	[smem:$0x3FB1] =	sst s2  }
0x8f: {  	_ = 	snop  }
0x90: {  	s2 =	sld [smem:$0x3FC9];
	(tm) =	ssettm $0x1  }
0x91: {  	s18 =	sld [smem:$0x3FFB];
	_ =	sdelay $0x3  }
0x92: {  	_ =	strace s18  }
0x93: {  	s3 =	sld [smem:$0x3FFC];
	_ =	sdelay $0x3  }
0x94: {  	_ =	strace s3  }
0x95: {  	s3 =	sld [smem:$0x3FFD];
	_ =	sdelay $0x3  }
0x96: {  	_ =	strace s3  }
0x97: {  	_ =	strace $0x8FFFFFFF  }
0x98: {  	s19 =	sld [smem:$0x3FDB];
	_ =	sdelay $0x1  }
0x99: {  	s4 =	simm.s32 $_scs_section_size  }
0x9a: {  	s5 =	simm.s32 $_size__tile_overlayer_lowered;
	s6 =	simm.s32 $_tile_overlayer_lowered  }
0x9b: {  	s22 =	simm.s32 $0x1BFF;
	s21 =	sshll.u32 s6, $0x1;
	s3 =	sadd.s32 s4, s19  }
0x9c: {  	s7 =	simm.s32 $0x0;
	s20 =	sshll.u32 s5, $0x1;
	s5 =	sadd.s32 s21, s3  }
0x9d: {  	[timem:s7], [sflag:s22] =	dma.local [hbm:s5], s20  }
0x9e: {  	_ =	swait.ge [sflag:s22], s20  }
0x9f: {  	s4 =	ssub.s32 $0x0, s20;
	[sflag:s22] =	ssyncset.done $0x0  }
0xa0: {  	[sflag:s22] =	ssyncadd.s32 s4;
	_ =	sdelay $0x1  }
0xa1: {  	s23 =	simm.s32 $0x1B8B  }
0xa2: {  	_ =	swait.ge [sflag:s23], $0x1  }
0xa3: {  	[sflag:s23] =	ssyncset.done $0x0  }
0xa4: {  	s25 =	simm.s32 $0x1B8E;
	s24 =	sld [smem:$0x3FFE];
	[sflag:s23] =	ssyncadd.s32 $0xFFFFFFFF  }
0xa5: {  	s26 =	simm.s32 $execute0_lowered;
	[smem:$0x3FD2] =	sst s25  }
0xa6: {  	s5 =	sshll.u32 s26, $0x1;
	_ =	strace $0x80000046;
	[dreg:$0x1] =	wrdreg $0xFFFFFFFF  }
0xa7: {  	s28 =	simm.s32 $_size_execute0_lowered;
	s3 =	sadd.s32 s3, s5;
	[dreg:$0x0] =	wrdreg $0x0  }
0xa8: {  	s5 =	sshll.u32 s28, $0x1;
	[dreg:$0x2] =	wrdreg s3  }
0xa9: {  	[dreg:$0x3] =	wrdreg s5  }
0xaa: {  	[dreg:$0x4] =	wrdreg $0xC0  }
0xab: {  	_ =	task [dreg:s7], $0x5FFFF  }
0xac: {  	[dreg:$0x1] =	wrdreg $0xFFFFFFFF  }
0xad: {  	[dreg:$0x0] =	wrdreg $0x60  }
0xae: {  	[dreg:$0x2] =	wrdreg s24  }
0xaf: {  	[dreg:$0x3] =	wrdreg s2  }
0xb0: {  	[dreg:$0x4] =	wrdreg $0x52000  }
0xb1: {  	[dreg:$0x5] =	wrdreg $0x9  }
0xb2: {  	_ =	task.clear_ibuf [dreg:s7], $0x6FFFF;
	_ =	strace $0x90000046  }
0xb3: {  	s29 =	simm.s32 $0x9;
	_ =	strace $0x80000048  }
0xb4: {  	_ =	swait.ge [sflag:s29], $0x1  }
0xb5: {  	[sflag:s29] =	ssyncadd.s32 $0xFFFFFFFF  }
0xb6: {  	_ =	strace $0x90000048  }
0xb7: {  	_ =	sfence  }
0xb8: {  	s30 =	sld [smem:$0x0];
	_ =	sdelay $0x2  }
0xb9: {  	s31 =	sshll.u32 s1, $0xD;
	s1 =	sshrl.u32 s1, $0x2  }
0xba: {  	s3 =	sand.u32 $0x4000, s31;
	s1 =	sadd.s32 s1, s30  }
0xbb: {  	s0 =	sor.u32 s3, s0;
	s1 =	sshll.u32 s1, $0x11  }
0xbc: {  	s0 =	sor.u32 s1, s0  }
0xbd: {  	s0 =	sadd.s32 $0x8F2B, s0  }
0xbe: {  	[sflag:s0] =	ssyncadd.remote.s32 $0x1  }
0xbf: {  	_ =	sfence.sel $0xFFFF  }
0xc0: {  	[dreg:$0x0] =	wrdreg $0xFFFFFFFF;
	(pc) =	sbr.abs _section_cstart, $3  }
0xc1: {  	[dreg:$0x1] =	wrdreg $0xFFFFFFFF  }
0xc2: {  	_ =	task.clear_ibuf [dreg:s7], $0x2FFFF;
	_ =	strace $0x9FFFFFFF  }
0xc3: {  	(tm) =	ssettm $0x7FFFFFFF  }
tec
execute0_lowered:
.L_overlay_start_1:
0x0: {  	(tag) =	ssettag $0x1  }
0x1: {  	s0 =	rddreg [dreg:$0x0]  }
0x2: {  	s1 =	rddreg [dreg:$0x1]  }
0x3: {  	s2 =	rddreg [dreg:$0x2]  }
0x4: {  	s3 =	srdreg.scid;
	s4 =	simm.s32 $0x0;
	s7 =	stileid.u32  }
0x5: {  	s19 =	simm.s32 $0x3;
	s20 =	simm.s32 $0x80;
	s21 =	simm.s32 $0x50  }
0x6: {  	s28 =	simm.s32 $0x2;
	s29 =	simm.s32 $0x0;
	s9 =	smul.u32 $0x14000, s7  }
0x7: {  	s3 =	sand.u32 $0x1, s3;
	[smem:$0x7FF] =	sst s4;
	s11 =	smul.u32 $0x50000, s7  }
0x8: {  	s5 =	sadd.s32 $0x10400, s0;
	s6 =	sadd.s32 $0x6600, s0;
	s26 =	smul.u32 $0x2760, s7  }
0x9: {  	s10 =	sadd.s32 $0x1A200, s0;
	s25 =	sshll.u32 s7, $0x6;
	s8 =	smul.u32 $0x140000, s3  }
0xa: {  	_ =	strace $0x80000047;
	[dreg:$0x4] =	wrdreg s10;
	s23 =	ssub.s32 $0x2, s3  }
0xb: {  	s22 =	sshll.u32 s3, $0x4;
	s3 =	smul.u32 $0x27600, s3;
	s12 =	sshrl.u32 s23, $0x1  }
0xc: {  	s24 =	sshrl.u32 s11, $0x2;
	s8 =	sadd.s32 s9, s8;
	s9 =	sor.u32 s7, s22  }
0xd: {  	s12 =	ssub.s32 s23, s12;
	s18 =	sadd.s32 s24, s2;
	s3 =	sadd.s32 s26, s3  }
0xe: {  	s22 =	simm.s32 $0x200;
	s23 =	simm.s32 $0x100;
	s24 =	simm.s32 $0x180  }
0xf: {  	s26 =	simm.s32 $0x1;
	s8 =	sshrl.u32 s8, $0x3;
	s9 =	smul.u32 $0x2760, s9  }
0x10: {  	s14 =	sadd.s32 $0x50, s3;
	s12 =	smax.u32 s12, $0x1;
	s15 =	sadd.s32 $0xA0, s3  }
0x11: {  	s18 =	sshrl.u32 s18, $0x3;
	s0 =	sadd.s32 s8, s0;
	s8 =	sor.u32 $0x1C03, s25  }
0x12: {  	s17 =	sshrl.u32 s14, $0x3;
	s25 =	simm.s32 $0x2A00;
	s13 =	sshrl.u32 s9, $0x3  }
0x13: {  	s11 =	sadd.s32 $0x1CA00, s0;
	s16 =	sadd.s32 s17, s6;
	s17 =	sadd.s32 s17, s5  }
0x14: {  	s30 =	sadd.s32 s5, s13;
	s10 =	sadd.s32 s6, s13;
	s31 =	sadd.s32 $0x4E2, s13  }
0x15: {  	[dreg:$0x5] =	wrdreg s30;
	s13 =	sadd.s32 s5, s31;
	s14 =	sadd.s32 s6, s31  }
.LBB2_1:
0x16: {  	s0 =	rddreg [dreg:$0x4]  }
0x17: {  	[spmem:s18], [sflag:s8] =	dma.local [hbm:s0], $0x2800  }
0x18: {  	_ =	swait.ge [sflag:s19], $0x2800  }
0x19: {  	[sflag:s19] =	ssyncset.done $0x0  }
0x1a: {  	[sflag:s19] =	ssyncadd.s32 $0xFFFFD800  }
0x1b: {  	[bflag:$0x0] =	sbarrier.arrive $0xFFFF  }
0x1c: {  	s9 =	rddreg [dreg:$0x5]  }
0x1d: {  	[tilespmem:s4], [sflag:$0x3] =	stream.linear.gather [hbm4b:s9+s4], $0x50, $0x38;
	[tilespmem:$0x19200] =	vst v63  }
0x1e: {  	_ =	swait.ge [sflag:s19], $0x50  }
0x1f: {  	[sflag:s19] =	ssyncset.done $0x0  }
0x20: {  	[sflag:s19] =	ssyncadd.s32 $0xFFFFFFB0  }
0x21: {  	[tilespmem:s20], [sflag:$0x3] =	stream.linear.gather [hbm4b:s10+s4], $0x50, $0x38;
	[tilespmem:$0x19200] =	vst v63  }
0x22: {  	_ =	swait.ge [sflag:s19], $0x50  }
0x23: {  	[sflag:s19] =	ssyncset.done $0x0  }
0x24: {  	[sflag:s19] =	ssyncadd.s32 $0xFFFFFFB0  }
0x25: {  	[tilespmem:s22], [sflag:$0x1] =	stream.indirect.gather [hbm4b:s1+s21], $0x80, s4, s21, $0xb8;
	[tilespmem:$0x19200] =	vst v63  }
0x26: {  	s3 =	sadd.s32 $0x0, s17  }
0x27: {  	[tilespmem:s23], [sflag:$0x3] =	stream.linear.gather [hbm4b:s3+s4], $0x50, $0x38;
	[tilespmem:$0x19200] =	vst v63  }
0x28: {  	_ =	swait.ge [sflag:s19], $0x50  }
0x29: {  	[sflag:s19] =	ssyncset.done $0x0  }
0x2a: {  	s7 =	sadd.s32 $0x0, s16;
	[sflag:s19] =	ssyncadd.s32 $0xFFFFFFB0  }
0x2b: {  	[tilespmem:s24], [sflag:$0x3] =	stream.linear.gather [hbm4b:s7+s4], $0x50, $0x38;
	[tilespmem:$0x19200] =	vst v63  }
0x2c: {  	_ =	swait.ge [sflag:s19], $0x50  }
0x2d: {  	[sflag:s19] =	ssyncset.done $0x0  }
0x2e: {  	[sflag:s19] =	ssyncadd.s32 $0xFFFFFFB0  }
0x2f: {  	[tilespmem:s25], [sflag:$0x2] =	stream.indirect.gather [hbm4b:s1+s21], $0x80, s23, s21, $0xb8;
	[tilespmem:$0x19200] =	vst v63  }
0x30: {  	_ =	swait.ge [sflag:s26], $0x2800  }
0x31: {  	[sflag:s26] =	ssyncset.done $0x0  }
0x32: {  	[sflag:s26] =	ssyncadd.s32 $0xFFFFD800  }
0x33: {  	[spmem:s2] =	stream.indirect.scatter.add.f32 [tilespmem:s22], [sflag:$0x3], $0x80, s20, s21, $0xb8;
	[tilespmem:$0x19200] =	vst v63  }
0x34: {  	_ =	swait.ge [sflag:s19], $0x2800  }
0x35: {  	s9 =	sshrl.u32 s15, $0x3;
	[sflag:s19] =	ssyncset.done $0x0  }
0x36: {  	s3 =	sadd.s32 s5, s9;
	[sflag:s19] =	ssyncadd.s32 $0xFFFFD800  }
0x37: {  	[tilespmem:s4], [sflag:$0x3] =	stream.linear.gather [hbm4b:s3+s4], $0x50, $0x38;
	[tilespmem:$0x19200] =	vst v63  }
0x38: {  	_ =	swait.ge [sflag:s19], $0x50  }
0x39: {  	[sflag:s19] =	ssyncset.done $0x0  }
0x3a: {  	s0 =	sadd.s32 s6, s9;
	[sflag:s19] =	ssyncadd.s32 $0xFFFFFFB0  }
0x3b: {  	[tilespmem:s20], [sflag:$0x3] =	stream.linear.gather [hbm4b:s0+s4], $0x50, $0x38;
	[tilespmem:$0x19200] =	vst v63  }
0x3c: {  	_ =	swait.ge [sflag:s19], $0x50  }
0x3d: {  	[sflag:s19] =	ssyncset.done $0x0  }
0x3e: {  	[sflag:s19] =	ssyncadd.s32 $0xFFFFFFB0  }
0x3f: {  	[tilespmem:s22], [sflag:$0x1] =	stream.indirect.gather [hbm4b:s1+s21], $0x80, s4, s21, $0xb8;
	[tilespmem:$0x19200] =	vst v63  }
0x40: {  	_ =	swait.ge [sflag:s28], $0x2800  }
0x41: {  	[sflag:s28] =	ssyncset.done $0x0  }
0x42: {  	[sflag:s28] =	ssyncadd.s32 $0xFFFFD800  }
0x43: {  	[spmem:s2] =	stream.indirect.scatter.add.f32 [tilespmem:s25], [sflag:$0x3], $0x80, s24, s21, $0xb8;
	[tilespmem:$0x19200] =	vst v63  }
0x44: {  	s31 =	simm.s32 $0x14;
	_ =	swait.ge [sflag:s19], $0x2800  }
0x45: {  	s30 =	sadd.s32 $0xA0, s15;
	s0 =	simm.s32 $0x28;
	[sflag:s19] =	ssyncset.done $0x0  }
.LBB2_2:
0x46: {  	s7 =	sadd.s32 s31, s17  }
0x47: {  	[sflag:s19] =	ssyncadd.s32 $0xFFFFD800;
	s9 =	smov.u32 s0;
	s3 =	sadd.s32 $0x14, s0  }
0x48: {  	[tilespmem:s23], [sflag:$0x3] =	stream.linear.gather [hbm4b:s7+s4], $0x50, $0x38;
	[tilespmem:$0x19200] =	vst v63  }
0x49: {  	p0 =	sne.s32 s0, $0x4C4;
	_ =	swait.ge [sflag:s19], $0x50  }
0x4a: {  	[sflag:s19] =	ssyncset.done $0x0  }
0x4b: {  	s0 =	sadd.s32 s31, s16;
	s31 =	smov.u32 s9;
	[sflag:s19] =	ssyncadd.s32 $0xFFFFFFB0  }
0x4c: {  	[tilespmem:s24], [sflag:$0x3] =	stream.linear.gather [hbm4b:s0+s4], $0x50, $0x38;
	[tilespmem:$0x19200] =	vst v63  }
0x4d: {  	_ =	swait.ge [sflag:s19], $0x50  }
0x4e: {  	[sflag:s19] =	ssyncset.done $0x0  }
0x4f: {  	[sflag:s19] =	ssyncadd.s32 $0xFFFFFFB0  }
0x50: {  	[tilespmem:s25], [sflag:$0x2] =	stream.indirect.gather [hbm4b:s1+s21], $0x80, s23, s21, $0xb8;
	[tilespmem:$0x19200] =	vst v63  }
0x51: {  	_ =	swait.ge [sflag:s26], $0x2800  }
0x52: {  	[sflag:s26] =	ssyncset.done $0x0  }
0x53: {  	[sflag:s26] =	ssyncadd.s32 $0xFFFFD800  }
0x54: {  	[spmem:s2] =	stream.indirect.scatter.add.f32 [tilespmem:s22], [sflag:$0x3], $0x80, s20, s21, $0xb8;
	[tilespmem:$0x19200] =	vst v63  }
0x55: {  	_ =	swait.ge [sflag:s19], $0x2800  }
0x56: {  	s0 =	sshrl.u32 s30, $0x3;
	[sflag:s19] =	ssyncset.done $0x0  }
0x57: {  	s7 =	sadd.s32 s5, s0;
	[sflag:s19] =	ssyncadd.s32 $0xFFFFD800  }
0x58: {  	[tilespmem:s4], [sflag:$0x3] =	stream.linear.gather [hbm4b:s7+s4], $0x50, $0x38;
	[tilespmem:$0x19200] =	vst v63  }
0x59: {  	_ =	swait.ge [sflag:s19], $0x50  }
0x5a: {  	[sflag:s19] =	ssyncset.done $0x0  }
0x5b: {  	s0 =	sadd.s32 s6, s0;
	[sflag:s19] =	ssyncadd.s32 $0xFFFFFFB0  }
0x5c: {  	[tilespmem:s20], [sflag:$0x3] =	stream.linear.gather [hbm4b:s0+s4], $0x50, $0x38;
	[tilespmem:$0x19200] =	vst v63  }
0x5d: {  	_ =	swait.ge [sflag:s19], $0x50  }
0x5e: {  	[sflag:s19] =	ssyncset.done $0x0  }
0x5f: {  	[sflag:s19] =	ssyncadd.s32 $0xFFFFFFB0  }
0x60: {  	[tilespmem:s22], [sflag:$0x1] =	stream.indirect.gather [hbm4b:s1+s21], $0x80, s4, s21, $0xb8;
	[tilespmem:$0x19200] =	vst v63  }
0x61: {  	_ =	swait.ge [sflag:s28], $0x2800  }
.Ltmp0:
0x62: {  	[sflag:s28] =	ssyncset.done $0x0;
	(pc) =	sbr.rel @p0 .LBB2_2-.Ltmp0, $4  }
0x63: {  	[sflag:s28] =	ssyncadd.s32 $0xFFFFD800  }
0x64: {  	[spmem:s2] =	stream.indirect.scatter.add.f32 [tilespmem:s25], [sflag:$0x3], $0x80, s24, s21, $0xb8;
	[tilespmem:$0x19200] =	vst v63  }
0x65: {  	_ =	swait.ge [sflag:s19], $0x2800  }
0x66: {  	s30 =	sadd.s32 $0xA0, s30;
	s0 =	smov.u32 s3;
	[sflag:s19] =	ssyncset.done $0x0  }
0x67: {  	s0 =	sadd.s32 s31, s17;
	[sflag:s19] =	ssyncadd.s32 $0xFFFFD800  }
0x68: {  	[tilespmem:s23], [sflag:$0x3] =	stream.linear.gather [hbm4b:s0+s4], $0x50, $0x38;
	[tilespmem:$0x19200] =	vst v63  }
0x69: {  	_ =	swait.ge [sflag:s19], $0x50  }
0x6a: {  	[sflag:s19] =	ssyncset.done $0x0  }
0x6b: {  	s9 =	sadd.s32 s31, s16;
	[sflag:s19] =	ssyncadd.s32 $0xFFFFFFB0  }
0x6c: {  	[tilespmem:s24], [sflag:$0x3] =	stream.linear.gather [hbm4b:s9+s4], $0x50, $0x38;
	[tilespmem:$0x19200] =	vst v63  }
0x6d: {  	_ =	swait.ge [sflag:s19], $0x50  }
0x6e: {  	[sflag:s19] =	ssyncset.done $0x0  }
0x6f: {  	[sflag:s19] =	ssyncadd.s32 $0xFFFFFFB0  }
0x70: {  	[tilespmem:s25], [sflag:$0x2] =	stream.indirect.gather [hbm4b:s1+s21], $0x80, s23, s21, $0xb8;
	[tilespmem:$0x19200] =	vst v63  }
0x71: {  	_ =	swait.ge [sflag:s26], $0x2800  }
0x72: {  	[sflag:s26] =	ssyncset.done $0x0  }
0x73: {  	[sflag:s26] =	ssyncadd.s32 $0xFFFFD800  }
0x74: {  	[spmem:s2] =	stream.indirect.scatter.add.f32 [tilespmem:s22], [sflag:$0x3], $0x80, s20, s21, $0xb8;
	[tilespmem:$0x19200] =	vst v63  }
0x75: {  	_ =	swait.ge [sflag:s19], $0x2800  }
0x76: {  	s31 =	sshrl.u32 s30, $0x3;
	[sflag:s19] =	ssyncset.done $0x0  }
0x77: {  	s3 =	sadd.s32 s5, s31;
	[sflag:s19] =	ssyncadd.s32 $0xFFFFD800  }
0x78: {  	[tilespmem:s4], [sflag:$0x3] =	stream.linear.gather [hbm4b:s3+s4], $0x50, $0x38;
	[tilespmem:$0x19200] =	vst v63  }
0x79: {  	_ =	swait.ge [sflag:s19], $0x50  }
0x7a: {  	[sflag:s19] =	ssyncset.done $0x0  }
0x7b: {  	s0 =	sadd.s32 s6, s31;
	[sflag:s19] =	ssyncadd.s32 $0xFFFFFFB0  }
0x7c: {  	[tilespmem:s20], [sflag:$0x3] =	stream.linear.gather [hbm4b:s0+s4], $0x50, $0x38;
	[tilespmem:$0x19200] =	vst v63  }
0x7d: {  	_ =	swait.ge [sflag:s19], $0x50  }
0x7e: {  	[sflag:s19] =	ssyncset.done $0x0  }
0x7f: {  	[sflag:s19] =	ssyncadd.s32 $0xFFFFFFB0  }
0x80: {  	[tilespmem:s22], [sflag:$0x1] =	stream.indirect.gather [hbm4b:s1+s21], $0x80, s4, s21, $0xb8;
	[tilespmem:$0x19200] =	vst v63  }
0x81: {  	_ =	swait.ge [sflag:s28], $0x2800  }
0x82: {  	[sflag:s28] =	ssyncset.done $0x0  }
0x83: {  	[sflag:s28] =	ssyncadd.s32 $0xFFFFD800  }
0x84: {  	[spmem:s2] =	stream.indirect.scatter.add.f32 [tilespmem:s25], [sflag:$0x3], $0x80, s24, s21, $0xb8;
	[tilespmem:$0x19200] =	vst v63  }
0x85: {  	_ =	swait.ge [sflag:s19], $0x2800  }
0x86: {  	[sflag:s19] =	ssyncset.done $0x0  }
0x87: {  	[sflag:s19] =	ssyncadd.s32 $0xFFFFD800  }
0x88: {  	[tilespmem:s23], [sflag:$0x3] =	stream.linear.gather [hbm4b:s13+s4], $0x50, $0x38;
	[tilespmem:$0x19200] =	vst v63  }
0x89: {  	_ =	swait.ge [sflag:s19], $0x50  }
0x8a: {  	[sflag:s19] =	ssyncset.done $0x0  }
0x8b: {  	[sflag:s19] =	ssyncadd.s32 $0xFFFFFFB0  }
0x8c: {  	[tilespmem:s24], [sflag:$0x3] =	stream.linear.gather [hbm4b:s14+s4], $0x50, $0x38;
	[tilespmem:$0x19200] =	vst v63  }
0x8d: {  	_ =	swait.ge [sflag:s19], $0x50  }
0x8e: {  	[sflag:s19] =	ssyncset.done $0x0  }
0x8f: {  	[sflag:s19] =	ssyncadd.s32 $0xFFFFFFB0  }
0x90: {  	[tilespmem:s25], [sflag:$0x2] =	stream.indirect.gather [hbm4b:s1+s21], $0x80, s23, s21, $0xb8;
	[tilespmem:$0x19200] =	vst v63  }
0x91: {  	_ =	swait.ge [sflag:s26], $0x2800  }
0x92: {  	[sflag:s26] =	ssyncset.done $0x0  }
0x93: {  	[sflag:s26] =	ssyncadd.s32 $0xFFFFD800  }
0x94: {  	[spmem:s2] =	stream.indirect.scatter.add.f32 [tilespmem:s22], [sflag:$0x3], $0x80, s20, s21, $0xb8;
	[tilespmem:$0x19200] =	vst v63  }
0x95: {  	_ =	swait.ge [sflag:s19], $0x2800  }
0x96: {  	[sflag:s19] =	ssyncset.done $0x0  }
0x97: {  	[sflag:s19] =	ssyncadd.s32 $0xFFFFD800  }
0x98: {  	_ =	swait.ge [sflag:s28], $0x2800  }
0x99: {  	[sflag:s28] =	ssyncset.done $0x0  }
0x9a: {  	[sflag:s28] =	ssyncadd.s32 $0xFFFFD800  }
0x9b: {  	[spmem:s2] =	stream.indirect.scatter.add.f32 [tilespmem:s25], [sflag:$0x3], $0x80, s24, s21, $0xb8;
	[tilespmem:$0x19200] =	vst v63  }
0x9c: {  	_ =	swait.ge [sflag:s19], $0x2800  }
0x9d: {  	s29 =	sadd.s32 $0x1, s29;
	[sflag:s19] =	ssyncset.done $0x0  }
0x9e: {  	p0 =	sne.s32 s29, s12;
	[sflag:s19] =	ssyncadd.s32 $0xFFFFD800  }
.Ltmp1:
0x9f: {  	[bflag:$0x0] =	sbarrier.arrive $0xFFFF;
	(pc) =	sbr.rel @p0 .LBB2_1-.Ltmp1, $4  }
0xa0: {  	[hbm:s11], [sflag:s8] =	dma.local [spmem:s18], $0x2800  }
0xa1: {  	_ =	swait.ge [sflag:s19], $0x2800  }
0xa2: {  	[sflag:s19] =	ssyncset.done $0x0  }
0xa3: {  	[sflag:s19] =	ssyncadd.s32 $0xFFFFD800  }
0xa4: {  	_ =	sfence.sel $0x180000  }
0xa5: {  	[bflag:$0x0] =	sbarrier.arrive $0xFFFF  }
0xa6: {  	_ =	strace $0x90000047  }
0xa7: {  	s0 =	stileid.u32;
	[bflag:$0x2] =	sbarrier.arrive $0xFFFF  }
0xa8: {  	p0 =	sne.s32 s0, $0x0;
	s0 =	rddreg [dreg:$0x3]  }
0xa9: {  	s0 =	sadd.s32 @!p0 $0x100000, s0  }
0xaa: {  	[sflag:s0] =	ssyncadd.tile.s32 @!p0 $0x1;
	_ =	shalt  }
.Lfunc_end2:
_tile_overlayer_lowered:
.L_overlay_start_2:
0xab: {  	(tag) =	ssettag $0x2  }
0xac: {  	s0 =	rddreg [dreg:$0x0];
	s2 =	stileid.u32  }
0xad: {  	s1 =	rddreg [dreg:$0x1];
	p0 =	sne.s32 s2, $0x0  }
0xae: {  	s3 =	rddreg [dreg:$0x2];
	[bflag:$0x3] =	sbarrier.arrive $0xFFFF;
	s2 =	simm.s32 @!p0 $0x1C03  }
0xaf: {  	[timem:s3], [sflag:s2] =	dma.local @!p0 [hbm:s0], s1  }
0xb0: {  	s0 =	simm.s32 @!p0 $0x3  }
0xb1: {  	_ =	swait.ge @!p0 [sflag:s0], s1  }
0xb2: {  	s1 =	ssub.s32 @!p0 $0x0, s1;
	[sflag:s0] =	ssyncset.done @!p0 $0x0  }
0xb3: {  	[sflag:s0] =	ssyncadd.s32 @!p0 s1  }
0xb4: {  	[bflag:$0x3] =	sbarrier.arrive $0xFFFF  }
0xb5: {  	_ =	shalt  }

// kernel: kernel.15.cloned.1.call-start
scs
__scs_entry_jumppad:
0x0: {  	(pc) =	sbr.rel $0x88, $3  }
0x1: {  	(tag) =	ssettag $0x0;
	lr =	simm.s32 $0x1  }
0x2: {  	[smem:$0x3F8A] =	sst lr;
	_ =	strace $0xD0000000  }
0x3: {  	_ = 	snop  }
0x4: {  	_ = 	snop  }
0x5: {  	_ = 	snop  }
0x6: {  	_ = 	snop  }
0x7: {  	_ = 	snop  }
__scs_overlays_trampoline_lowered:
0x8: {  	[smem:$0x3F99] =	sst s0  }
0x9: {  	[smem:$0x3F9A] =	sst s1  }
0xa: {  	[smem:$0x3F9B] =	sst s2  }
0xb: {  	[smem:$0x3F9C] =	sst s3  }
0xc: {  	[smem:$0x3F9D] =	sst s4  }
0xd: {  	[smem:$0x3F9E] =	sst s5  }
0xe: {  	[smem:$0x3F9F] =	sst s6  }
0xf: {  	[smem:$0x3FA0] =	sst s7  }
0x10: {  	[smem:$0x3FA1] =	sst s8  }
0x11: {  	[smem:$0x3FA2] =	sst s9;
	s0 =	simm.s32 @!p0 $0x0  }
0x12: {  	s1 =	sld [smem:$0x3F88];
	s0 =	simm.s32 @p0 $0x1  }
0x13: {  	[smem:$0x3FA3] =	sst s0;
	s0 =	simm.s32 @!p1 $0x0  }
0x14: {  	s2 =	sld [smem:$0x3F87];
	s0 =	simm.s32 @p1 $0x1  }
0x15: {  	[smem:$0x3FA4] =	sst s0;
	s0 =	simm.s32 @!p2 $0x0  }
0x16: {  	s3 =	sld [smem:$0x3FDB];
	s0 =	simm.s32 @p2 $0x1  }
0x17: {  	s4 =	simm.s32 $0x1BF5;
	[smem:$0x3FA6] =	sst s0  }
0x18: {  	s0 =	sld [smem:$0x3F89];
	_ =	swait.ge [sflag:s4], $0x0  }
0x19: {  	s7 =	sld [smem:$0x3F8A]  }
0x1a: {  	s8 =	sadd.s32 $0xFFFFE003, lr  }
0x1b: {  	s9 =	sadd.s32 $0xFFFFFEF7, lr;
	s5 =	simm.s32 $0xFFFFFFFF;
	p2 =	slt.u32 s8, $0xFFFFF086  }
0x1c: {  	p1 =	slt.u32 s9, $0xF7A;
	s5 =	simm.s32 @!p2 $0x0  }
0x1d: {  	s5 =	simm.s32 @p1 $0x1;
	p0 =	seq.s32 s7, s2  }
0x1e: {  	s7 =	smul.u32 @!p0 $0xF7A, s2;
	p2 =	seq.s32 @!p0 s5, $0x0  }
0x1f: {  	s9 =	smul.u32 $0xF7A, s1;
	s8 =	simm.s32 @!p0 $0x1BF5;
	p2 =	por !p2, p0  }
0x20: {  	[sflag:s8] =	ssyncset.s32 @!p0 $0xFFFFF086;
	s6 =	sadd.s32 @!p0 s3, s7;
	s7 =	simm.s32 @!p0 $0x108  }
0x21: {  	s3 =	sadd.s32 s3, s9;
	s6 =	sadd.s32 @!p0 $0x88, s6;
	s7 =	simm.s32 @p2 $0x1082  }
0x22: {  	[simem:s7], [sflag:s8] =	dma.local @!p0 [hbm:s6], $0xF7A  }
0x23: {  	s9 =	sor.u32 $0xD0000000, s2;
	s6 =	simm.s32 $0x108;
	_ =	swait.ge @!p0 [sflag:s8], $0x0  }
0x24: {  	s3 =	sadd.s32 $0x88, s3;
	s6 =	simm.s32 @!p1 $0x1082;
	[sflag:s4] =	ssyncset.s32 $0xFFFFF086  }
0x25: {  	[simem:s6], [sflag:s4] =	dma.local [hbm:s3], $0xF7A  }
0x26: {  	[smem:$0x3F8A] =	sst s1;
	(tag) =	ssettag s2;
	_ =	strace s9  }
0x27: {  	s1 =	sld [smem:$0x3F9A]  }
0x28: {  	s2 =	sld [smem:$0x3F9B]  }
0x29: {  	s4 =	sld [smem:$0x3F9D]  }
0x2a: {  	p0 =	seq.s32 s5, $0x0;
	s5 =	sld [smem:$0x3F9E]  }
0x2b: {  	s6 =	sld [smem:$0x3F9F]  }
0x2c: {  	s7 =	sld [smem:$0x3FA0]  }
0x2d: {  	s3 =	simm.s32 $0x108;
	s8 =	sld [smem:$0x3FA1]  }
0x2e: {  	s3 =	simm.s32 @!p0 $0x1082;
	s9 =	sld [smem:$0x3FA2]  }
0x2f: {  	lr =	sadd.s32 s0, s3;
	s0 =	sld [smem:$0x3F99]  }
0x30: {  	s3 =	sld [smem:$0x3F9C]  }
0x31: {  	[smem:$0x3FA5] =	sst s10  }
0x32: {  	s10 =	sld [smem:$0x3FA3];
	_ =	sdelay $0x3  }
0x33: {  	p0 =	seq.s32 s10, $0x1;
	s10 =	sld [smem:$0x3FA5];
	_ =	sdelay $0x3  }
0x34: {  	[smem:$0x3FA5] =	sst s10  }
0x35: {  	s10 =	sld [smem:$0x3FA4];
	_ =	sdelay $0x3  }
0x36: {  	p1 =	seq.s32 s10, $0x1;
	s10 =	sld [smem:$0x3FA5];
	_ =	sdelay $0x3  }
0x37: {  	[smem:$0x3FA5] =	sst s10  }
0x38: {  	s10 =	sld [smem:$0x3FA6]  }
0x39: {  	_ = 	snop;
	(pc) =	sbr.ind lr, $3  }
0x3a: {  	_ = 	snop  }
0x3b: {  	_ = 	snop  }
0x3c: {  	p2 =	seq.s32 s10, $0x1;
	s10 =	sld [smem:$0x3FA5]  }
0x3d: {  	_ =	shalt  }
0x3e: {  	_ =	shalt  }
0x3f: {  	_ =	shalt  }
0x40: {  	_ =	shalt  }
0x41: {  	_ =	shalt  }
0x42: {  	_ =	shalt  }
0x43: {  	_ =	shalt  }
0x44: {  	_ =	shalt  }
0x45: {  	_ =	shalt  }
0x46: {  	_ =	shalt  }
0x47: {  	_ =	shalt  }
0x48: {  	_ =	shalt  }
0x49: {  	_ =	shalt  }
0x4a: {  	_ =	shalt  }
0x4b: {  	_ =	shalt  }
0x4c: {  	_ =	shalt  }
0x4d: {  	_ =	shalt  }
0x4e: {  	_ =	shalt  }
0x4f: {  	_ =	shalt  }
0x50: {  	_ =	shalt  }
0x51: {  	_ =	shalt  }
0x52: {  	_ =	shalt  }
0x53: {  	_ =	shalt  }
0x54: {  	_ =	shalt  }
0x55: {  	_ =	shalt  }
0x56: {  	_ =	shalt  }
0x57: {  	_ =	shalt  }
0x58: {  	_ =	shalt  }
0x59: {  	_ =	shalt  }
0x5a: {  	_ =	shalt  }
0x5b: {  	_ =	shalt  }
0x5c: {  	_ =	shalt  }
0x5d: {  	_ =	shalt  }
0x5e: {  	_ =	shalt  }
0x5f: {  	_ =	shalt  }
0x60: {  	_ =	shalt  }
0x61: {  	_ =	shalt  }
0x62: {  	_ =	shalt  }
0x63: {  	_ =	shalt  }
0x64: {  	_ =	shalt  }
0x65: {  	_ =	shalt  }
0x66: {  	_ =	shalt  }
0x67: {  	_ =	shalt  }
0x68: {  	_ =	shalt  }
0x69: {  	_ =	shalt  }
0x6a: {  	_ =	shalt  }
0x6b: {  	_ =	shalt  }
0x6c: {  	_ =	shalt  }
0x6d: {  	_ =	shalt  }
0x6e: {  	_ =	shalt  }
0x6f: {  	_ =	shalt  }
0x70: {  	_ =	shalt  }
0x71: {  	_ =	shalt  }
0x72: {  	_ =	shalt  }
0x73: {  	_ =	shalt  }
0x74: {  	_ =	shalt  }
0x75: {  	_ =	shalt  }
0x76: {  	_ =	shalt  }
0x77: {  	_ =	shalt  }
0x78: {  	_ =	shalt  }
0x79: {  	_ =	shalt  }
0x7a: {  	_ =	shalt  }
0x7b: {  	_ =	shalt  }
0x7c: {  	_ =	shalt  }
0x7d: {  	_ =	shalt  }
0x7e: {  	_ =	shalt  }
0x7f: {  	_ =	shalt  }
0x80: {  	_ =	shalt  }
0x81: {  	_ =	shalt  }
0x82: {  	_ =	shalt  }
0x83: {  	_ =	shalt  }
0x84: {  	_ =	shalt  }
0x85: {  	_ =	shalt  }
0x86: {  	_ =	shalt  }
0x87: {  	_ =	shalt  }
.Lfunc_end0:
.L_simem_size_0:
called_computation.1_lowered:
.L_overlay_start_0:
0x88: {  	s2 =	sld [smem:$0x3FD9]  }
0x89: {  	s3 =	sld [smem:$0x3FFE];
	_ =	sdelay $0x1  }
0x8a: {  	s1 =	srdreg.scid  }
0x8b: {  	s0 =	sand.u32 $0x1, s1  }
0x8c: {  	s16 =	sshll.u32 s0, $0xA;
	s2 =	sadd.s32 s3, s2  }
0x8d: {  	s2 =	sadd.s32 s2, s16  }
0x8e: {  	[smem:$0x3FB1] =	sst s2  }
0x8f: {  	_ = 	snop  }
0x90: {  	(tm) =	ssettm $0x1  }
0x91: {  	s17 =	sld [smem:$0x3FFB];
	_ =	sdelay $0x3  }
0x92: {  	_ =	strace s17  }
0x93: {  	s2 =	sld [smem:$0x3FFC];
	_ =	sdelay $0x3  }
0x94: {  	_ =	strace s2  }
0x95: {  	s2 =	sld [smem:$0x3FFD];
	_ =	sdelay $0x3  }
0x96: {  	_ =	strace s2  }
0x97: {  	_ =	strace $0x8FFFFFFF  }
0x98: {  	s18 =	sld [smem:$0x3FDB];
	_ =	sdelay $0x1  }
0x99: {  	s19 =	simm.s32 $_scs_section_size  }
0x9a: {  	s4 =	simm.s32 $_size__tile_overlayer_lowered;
	s5 =	simm.s32 $_tile_overlayer_lowered  }
0x9b: {  	s22 =	simm.s32 $0x1BFF;
	s21 =	sshll.u32 s5, $0x1;
	s2 =	sadd.s32 s19, s18  }
0x9c: {  	s6 =	simm.s32 $0x0;
	s20 =	sshll.u32 s4, $0x1;
	s4 =	sadd.s32 s21, s2  }
0x9d: {  	[timem:s6], [sflag:s22] =	dma.local [hbm:s4], s20  }
0x9e: {  	_ =	swait.ge [sflag:s22], s20  }
0x9f: {  	s3 =	ssub.s32 $0x0, s20;
	[sflag:s22] =	ssyncset.done $0x0  }
0xa0: {  	[sflag:s22] =	ssyncadd.s32 s3;
	_ =	sdelay $0x1  }
0xa1: {  	s23 =	simm.s32 $0x1B8B  }
0xa2: {  	_ =	swait.ge [sflag:s23], $0x1  }
0xa3: {  	[sflag:s23] =	ssyncset.done $0x0  }
0xa4: {  	s25 =	simm.s32 $0x1B8E;
	s24 =	sld [smem:$0x3FFE];
	[sflag:s23] =	ssyncadd.s32 $0xFFFFFFFF  }
0xa5: {  	s26 =	simm.s32 $execute0_lowered;
	[smem:$0x3FD2] =	sst s25  }
0xa6: {  	s4 =	sshll.u32 s26, $0x1;
	_ =	strace $0x80000049;
	[dreg:$0x1] =	wrdreg $0xFFFFFFFF  }
0xa7: {  	s28 =	simm.s32 $_size_execute0_lowered;
	s2 =	sadd.s32 s2, s4;
	[dreg:$0x0] =	wrdreg $0x0  }
0xa8: {  	s4 =	sshll.u32 s28, $0x1;
	[dreg:$0x2] =	wrdreg s2  }
0xa9: {  	[dreg:$0x3] =	wrdreg s4  }
0xaa: {  	[dreg:$0x4] =	wrdreg $0xC0  }
0xab: {  	_ =	task [dreg:s6], $0x5FFFF  }
0xac: {  	[dreg:$0x1] =	wrdreg $0xFFFFFFFF  }
0xad: {  	[dreg:$0x0] =	wrdreg $0x60  }
0xae: {  	[dreg:$0x2] =	wrdreg s24  }
0xaf: {  	[dreg:$0x3] =	wrdreg $0x52000  }
0xb0: {  	[dreg:$0x4] =	wrdreg $0x9  }
0xb1: {  	_ =	task.clear_ibuf [dreg:s6], $0x5FFFF;
	_ =	strace $0x90000049  }
0xb2: {  	s29 =	simm.s32 $0x9;
	_ =	strace $0x8000004B  }
0xb3: {  	_ =	swait.ge [sflag:s29], $0x1  }
0xb4: {  	[sflag:s29] =	ssyncadd.s32 $0xFFFFFFFF  }
0xb5: {  	_ =	strace $0x9000004B  }
0xb6: {  	_ =	sfence  }
0xb7: {  	s30 =	sld [smem:$0x0];
	_ =	sdelay $0x2  }
0xb8: {  	s31 =	sshll.u32 s1, $0xD;
	s1 =	sshrl.u32 s1, $0x2  }
0xb9: {  	s3 =	sand.u32 $0x4000, s31;
	s1 =	sadd.s32 s1, s30  }
0xba: {  	s0 =	sor.u32 s3, s0;
	s1 =	sshll.u32 s1, $0x11  }
0xbb: {  	s0 =	sor.u32 s1, s0  }
0xbc: {  	s0 =	sadd.s32 $0x8F2B, s0  }
0xbd: {  	[sflag:s0] =	ssyncadd.remote.s32 $0x1  }
0xbe: {  	_ =	sfence.sel $0xFFFF  }
0xbf: {  	[dreg:$0x0] =	wrdreg $0xFFFFFFFF;
	(pc) =	sbr.abs _section_cstart, $3  }
0xc0: {  	[dreg:$0x1] =	wrdreg $0xFFFFFFFF  }
0xc1: {  	_ =	task.clear_ibuf [dreg:s6], $0x2FFFF;
	_ =	strace $0x9FFFFFFF  }
0xc2: {  	(tm) =	ssettm $0x7FFFFFFF  }
0xc3: {  	_ =	shalt  }
tec
execute0_lowered:
.L_overlay_start_1:
0x0: {  	(tag) =	ssettag $0x1  }
0x1: {  	s0 =	rddreg [dreg:$0x0]  }
0x2: {  	s1 =	rddreg [dreg:$0x1];
	s3 =	simm.s32 $0x0  }
0x3: {  	s2 =	srdreg.scid;
	s7 =	stileid.u32;
	s19 =	simm.s32 $0x3  }
0x4: {  	s20 =	simm.s32 $0x80;
	s21 =	simm.s32 $0x50;
	s28 =	simm.s32 $0x2  }
0x5: {  	s29 =	simm.s32 $0x0;
	[smem:$0x7FF] =	sst s3;
	s9 =	smul.u32 $0x14000, s7  }
0x6: {  	s2 =	sand.u32 $0x1, s2;
	s4 =	sadd.s32 $0x10400, s0;
	s11 =	smul.u32 $0x50000, s7  }
0x7: {  	s5 =	sadd.s32 $0x6600, s0;
	s6 =	sadd.s32 $0x1CA00, s0;
	s26 =	smul.u32 $0x2760, s7  }
0x8: {  	s10 =	sadd.s32 $0x1A200, s0;
	s25 =	sshll.u32 s7, $0x6;
	s8 =	smul.u32 $0x140000, s2  }
0x9: {  	_ =	strace $0x8000004A;
	[dreg:$0x3] =	wrdreg s10;
	s23 =	ssub.s32 $0x2, s2  }
0xa: {  	s22 =	sshll.u32 s2, $0x4;
	s2 =	smul.u32 $0x27600, s2;
	s12 =	sshrl.u32 s23, $0x1  }
0xb: {  	s24 =	sshrl.u32 s11, $0x2;
	s8 =	sadd.s32 s9, s8;
	s9 =	sor.u32 s7, s22  }
0xc: {  	s12 =	ssub.s32 s23, s12;
	s18 =	sadd.s32 s24, s1;
	s2 =	sadd.s32 s26, s2  }
0xd: {  	s22 =	simm.s32 $0x200;
	s23 =	simm.s32 $0x100;
	s24 =	simm.s32 $0x180  }
0xe: {  	s26 =	simm.s32 $0x1;
	s8 =	sshrl.u32 s8, $0x3;
	s9 =	smul.u32 $0x2760, s9  }
0xf: {  	s14 =	sadd.s32 $0x50, s2;
	s12 =	smax.u32 s12, $0x1;
	s15 =	sadd.s32 $0xA0, s2  }
0x10: {  	s18 =	sshrl.u32 s18, $0x3;
	s0 =	sadd.s32 s8, s0;
	s8 =	sor.u32 $0x1C03, s25  }
0x11: {  	s17 =	sshrl.u32 s14, $0x3;
	s25 =	simm.s32 $0x2A00;
	s13 =	sshrl.u32 s9, $0x3  }
0x12: {  	s11 =	sadd.s32 $0x43C00, s0;
	s16 =	sadd.s32 s17, s5;
	s17 =	sadd.s32 s17, s4  }
0x13: {  	s30 =	sadd.s32 s4, s13;
	s10 =	sadd.s32 s5, s13;
	s31 =	sadd.s32 $0x4E2, s13  }
0x14: {  	[dreg:$0x4] =	wrdreg s30;
	s13 =	sadd.s32 s4, s31;
	s14 =	sadd.s32 s5, s31  }
.LBB2_1:
0x15: {  	s0 =	rddreg [dreg:$0x3]  }
0x16: {  	[spmem:s18], [sflag:s8] =	dma.local [hbm:s0], $0x2800  }
0x17: {  	_ =	swait.ge [sflag:s19], $0x2800  }
0x18: {  	[sflag:s19] =	ssyncset.done $0x0  }
0x19: {  	[sflag:s19] =	ssyncadd.s32 $0xFFFFD800  }
0x1a: {  	[bflag:$0x0] =	sbarrier.arrive $0xFFFF  }
0x1b: {  	s9 =	rddreg [dreg:$0x4]  }
0x1c: {  	[tilespmem:s3], [sflag:$0x3] =	stream.linear.gather [hbm4b:s9+s3], $0x50, $0x38;
	[tilespmem:$0x19200] =	vst v63  }
0x1d: {  	_ =	swait.ge [sflag:s19], $0x50  }
0x1e: {  	[sflag:s19] =	ssyncset.done $0x0  }
0x1f: {  	[sflag:s19] =	ssyncadd.s32 $0xFFFFFFB0  }
0x20: {  	[tilespmem:s20], [sflag:$0x3] =	stream.linear.gather [hbm4b:s10+s3], $0x50, $0x38;
	[tilespmem:$0x19200] =	vst v63  }
0x21: {  	_ =	swait.ge [sflag:s19], $0x50  }
0x22: {  	[sflag:s19] =	ssyncset.done $0x0  }
0x23: {  	[sflag:s19] =	ssyncadd.s32 $0xFFFFFFB0  }
0x24: {  	[tilespmem:s22], [sflag:$0x1] =	stream.indirect.gather [hbm4b:s6+s21], $0x80, s3, s21, $0xb8;
	[tilespmem:$0x19200] =	vst v63  }
0x25: {  	s2 =	sadd.s32 $0x0, s17  }
0x26: {  	[tilespmem:s23], [sflag:$0x3] =	stream.linear.gather [hbm4b:s2+s3], $0x50, $0x38;
	[tilespmem:$0x19200] =	vst v63  }
0x27: {  	_ =	swait.ge [sflag:s19], $0x50  }
0x28: {  	[sflag:s19] =	ssyncset.done $0x0  }
0x29: {  	s7 =	sadd.s32 $0x0, s16;
	[sflag:s19] =	ssyncadd.s32 $0xFFFFFFB0  }
0x2a: {  	[tilespmem:s24], [sflag:$0x3] =	stream.linear.gather [hbm4b:s7+s3], $0x50, $0x38;
	[tilespmem:$0x19200] =	vst v63  }
0x2b: {  	_ =	swait.ge [sflag:s19], $0x50  }
0x2c: {  	[sflag:s19] =	ssyncset.done $0x0  }
0x2d: {  	[sflag:s19] =	ssyncadd.s32 $0xFFFFFFB0  }
0x2e: {  	[tilespmem:s25], [sflag:$0x2] =	stream.indirect.gather [hbm4b:s6+s21], $0x80, s23, s21, $0xb8;
	[tilespmem:$0x19200] =	vst v63  }
0x2f: {  	_ =	swait.ge [sflag:s26], $0x2800  }
0x30: {  	[sflag:s26] =	ssyncset.done $0x0  }
0x31: {  	[sflag:s26] =	ssyncadd.s32 $0xFFFFD800  }
0x32: {  	[spmem:s1] =	stream.indirect.scatter.add.f32 [tilespmem:s22], [sflag:$0x3], $0x80, s20, s21, $0xb8;
	[tilespmem:$0x19200] =	vst v63  }
0x33: {  	_ =	swait.ge [sflag:s19], $0x2800  }
0x34: {  	s9 =	sshrl.u32 s15, $0x3;
	[sflag:s19] =	ssyncset.done $0x0  }
0x35: {  	s2 =	sadd.s32 s4, s9;
	[sflag:s19] =	ssyncadd.s32 $0xFFFFD800  }
0x36: {  	[tilespmem:s3], [sflag:$0x3] =	stream.linear.gather [hbm4b:s2+s3], $0x50, $0x38;
	[tilespmem:$0x19200] =	vst v63  }
0x37: {  	_ =	swait.ge [sflag:s19], $0x50  }
0x38: {  	[sflag:s19] =	ssyncset.done $0x0  }
0x39: {  	s0 =	sadd.s32 s5, s9;
	[sflag:s19] =	ssyncadd.s32 $0xFFFFFFB0  }
0x3a: {  	[tilespmem:s20], [sflag:$0x3] =	stream.linear.gather [hbm4b:s0+s3], $0x50, $0x38;
	[tilespmem:$0x19200] =	vst v63  }
0x3b: {  	_ =	swait.ge [sflag:s19], $0x50  }
0x3c: {  	[sflag:s19] =	ssyncset.done $0x0  }
0x3d: {  	[sflag:s19] =	ssyncadd.s32 $0xFFFFFFB0  }
0x3e: {  	[tilespmem:s22], [sflag:$0x1] =	stream.indirect.gather [hbm4b:s6+s21], $0x80, s3, s21, $0xb8;
	[tilespmem:$0x19200] =	vst v63  }
0x3f: {  	_ =	swait.ge [sflag:s28], $0x2800  }
0x40: {  	[sflag:s28] =	ssyncset.done $0x0  }
0x41: {  	[sflag:s28] =	ssyncadd.s32 $0xFFFFD800  }
0x42: {  	[spmem:s1] =	stream.indirect.scatter.add.f32 [tilespmem:s25], [sflag:$0x3], $0x80, s24, s21, $0xb8;
	[tilespmem:$0x19200] =	vst v63  }
0x43: {  	s31 =	simm.s32 $0x14;
	_ =	swait.ge [sflag:s19], $0x2800  }
0x44: {  	s30 =	sadd.s32 $0xA0, s15;
	s0 =	simm.s32 $0x28;
	[sflag:s19] =	ssyncset.done $0x0  }
.LBB2_2:
0x45: {  	s7 =	sadd.s32 s31, s17  }
0x46: {  	[sflag:s19] =	ssyncadd.s32 $0xFFFFD800;
	s9 =	smov.u32 s0;
	s2 =	sadd.s32 $0x14, s0  }
0x47: {  	[tilespmem:s23], [sflag:$0x3] =	stream.linear.gather [hbm4b:s7+s3], $0x50, $0x38;
	[tilespmem:$0x19200] =	vst v63  }
0x48: {  	p0 =	sne.s32 s0, $0x4C4;
	_ =	swait.ge [sflag:s19], $0x50  }
0x49: {  	[sflag:s19] =	ssyncset.done $0x0  }
0x4a: {  	s0 =	sadd.s32 s31, s16;
	s31 =	smov.u32 s9;
	[sflag:s19] =	ssyncadd.s32 $0xFFFFFFB0  }
0x4b: {  	[tilespmem:s24], [sflag:$0x3] =	stream.linear.gather [hbm4b:s0+s3], $0x50, $0x38;
	[tilespmem:$0x19200] =	vst v63  }
0x4c: {  	_ =	swait.ge [sflag:s19], $0x50  }
0x4d: {  	[sflag:s19] =	ssyncset.done $0x0  }
0x4e: {  	[sflag:s19] =	ssyncadd.s32 $0xFFFFFFB0  }
0x4f: {  	[tilespmem:s25], [sflag:$0x2] =	stream.indirect.gather [hbm4b:s6+s21], $0x80, s23, s21, $0xb8;
	[tilespmem:$0x19200] =	vst v63  }
0x50: {  	_ =	swait.ge [sflag:s26], $0x2800  }
0x51: {  	[sflag:s26] =	ssyncset.done $0x0  }
0x52: {  	[sflag:s26] =	ssyncadd.s32 $0xFFFFD800  }
0x53: {  	[spmem:s1] =	stream.indirect.scatter.add.f32 [tilespmem:s22], [sflag:$0x3], $0x80, s20, s21, $0xb8;
	[tilespmem:$0x19200] =	vst v63  }
0x54: {  	_ =	swait.ge [sflag:s19], $0x2800  }
0x55: {  	s0 =	sshrl.u32 s30, $0x3;
	[sflag:s19] =	ssyncset.done $0x0  }
0x56: {  	s7 =	sadd.s32 s4, s0;
	[sflag:s19] =	ssyncadd.s32 $0xFFFFD800  }
0x57: {  	[tilespmem:s3], [sflag:$0x3] =	stream.linear.gather [hbm4b:s7+s3], $0x50, $0x38;
	[tilespmem:$0x19200] =	vst v63  }
0x58: {  	_ =	swait.ge [sflag:s19], $0x50  }
0x59: {  	[sflag:s19] =	ssyncset.done $0x0  }
0x5a: {  	s0 =	sadd.s32 s5, s0;
	[sflag:s19] =	ssyncadd.s32 $0xFFFFFFB0  }
0x5b: {  	[tilespmem:s20], [sflag:$0x3] =	stream.linear.gather [hbm4b:s0+s3], $0x50, $0x38;
	[tilespmem:$0x19200] =	vst v63  }
0x5c: {  	_ =	swait.ge [sflag:s19], $0x50  }
0x5d: {  	[sflag:s19] =	ssyncset.done $0x0  }
0x5e: {  	[sflag:s19] =	ssyncadd.s32 $0xFFFFFFB0  }
0x5f: {  	[tilespmem:s22], [sflag:$0x1] =	stream.indirect.gather [hbm4b:s6+s21], $0x80, s3, s21, $0xb8;
	[tilespmem:$0x19200] =	vst v63  }
0x60: {  	_ =	swait.ge [sflag:s28], $0x2800  }
.Ltmp0:
0x61: {  	[sflag:s28] =	ssyncset.done $0x0;
	(pc) =	sbr.rel @p0 .LBB2_2-.Ltmp0, $4  }
0x62: {  	[sflag:s28] =	ssyncadd.s32 $0xFFFFD800  }
0x63: {  	[spmem:s1] =	stream.indirect.scatter.add.f32 [tilespmem:s25], [sflag:$0x3], $0x80, s24, s21, $0xb8;
	[tilespmem:$0x19200] =	vst v63  }
0x64: {  	_ =	swait.ge [sflag:s19], $0x2800  }
0x65: {  	s30 =	sadd.s32 $0xA0, s30;
	s0 =	smov.u32 s2;
	[sflag:s19] =	ssyncset.done $0x0  }
0x66: {  	s0 =	sadd.s32 s31, s17;
	[sflag:s19] =	ssyncadd.s32 $0xFFFFD800  }
0x67: {  	[tilespmem:s23], [sflag:$0x3] =	stream.linear.gather [hbm4b:s0+s3], $0x50, $0x38;
	[tilespmem:$0x19200] =	vst v63  }
0x68: {  	_ =	swait.ge [sflag:s19], $0x50  }
0x69: {  	[sflag:s19] =	ssyncset.done $0x0  }
0x6a: {  	s9 =	sadd.s32 s31, s16;
	[sflag:s19] =	ssyncadd.s32 $0xFFFFFFB0  }
0x6b: {  	[tilespmem:s24], [sflag:$0x3] =	stream.linear.gather [hbm4b:s9+s3], $0x50, $0x38;
	[tilespmem:$0x19200] =	vst v63  }
0x6c: {  	_ =	swait.ge [sflag:s19], $0x50  }
0x6d: {  	[sflag:s19] =	ssyncset.done $0x0  }
0x6e: {  	[sflag:s19] =	ssyncadd.s32 $0xFFFFFFB0  }
0x6f: {  	[tilespmem:s25], [sflag:$0x2] =	stream.indirect.gather [hbm4b:s6+s21], $0x80, s23, s21, $0xb8;
	[tilespmem:$0x19200] =	vst v63  }
0x70: {  	_ =	swait.ge [sflag:s26], $0x2800  }
0x71: {  	[sflag:s26] =	ssyncset.done $0x0  }
0x72: {  	[sflag:s26] =	ssyncadd.s32 $0xFFFFD800  }
0x73: {  	[spmem:s1] =	stream.indirect.scatter.add.f32 [tilespmem:s22], [sflag:$0x3], $0x80, s20, s21, $0xb8;
	[tilespmem:$0x19200] =	vst v63  }
0x74: {  	_ =	swait.ge [sflag:s19], $0x2800  }
0x75: {  	s31 =	sshrl.u32 s30, $0x3;
	[sflag:s19] =	ssyncset.done $0x0  }
0x76: {  	s2 =	sadd.s32 s4, s31;
	[sflag:s19] =	ssyncadd.s32 $0xFFFFD800  }
0x77: {  	[tilespmem:s3], [sflag:$0x3] =	stream.linear.gather [hbm4b:s2+s3], $0x50, $0x38;
	[tilespmem:$0x19200] =	vst v63  }
0x78: {  	_ =	swait.ge [sflag:s19], $0x50  }
0x79: {  	[sflag:s19] =	ssyncset.done $0x0  }
0x7a: {  	s0 =	sadd.s32 s5, s31;
	[sflag:s19] =	ssyncadd.s32 $0xFFFFFFB0  }
0x7b: {  	[tilespmem:s20], [sflag:$0x3] =	stream.linear.gather [hbm4b:s0+s3], $0x50, $0x38;
	[tilespmem:$0x19200] =	vst v63  }
0x7c: {  	_ =	swait.ge [sflag:s19], $0x50  }
0x7d: {  	[sflag:s19] =	ssyncset.done $0x0  }
0x7e: {  	[sflag:s19] =	ssyncadd.s32 $0xFFFFFFB0  }
0x7f: {  	[tilespmem:s22], [sflag:$0x1] =	stream.indirect.gather [hbm4b:s6+s21], $0x80, s3, s21, $0xb8;
	[tilespmem:$0x19200] =	vst v63  }
0x80: {  	_ =	swait.ge [sflag:s28], $0x2800  }
0x81: {  	[sflag:s28] =	ssyncset.done $0x0  }
0x82: {  	[sflag:s28] =	ssyncadd.s32 $0xFFFFD800  }
0x83: {  	[spmem:s1] =	stream.indirect.scatter.add.f32 [tilespmem:s25], [sflag:$0x3], $0x80, s24, s21, $0xb8;
	[tilespmem:$0x19200] =	vst v63  }
0x84: {  	_ =	swait.ge [sflag:s19], $0x2800  }
0x85: {  	[sflag:s19] =	ssyncset.done $0x0  }
0x86: {  	[sflag:s19] =	ssyncadd.s32 $0xFFFFD800  }
0x87: {  	[tilespmem:s23], [sflag:$0x3] =	stream.linear.gather [hbm4b:s13+s3], $0x50, $0x38;
	[tilespmem:$0x19200] =	vst v63  }
0x88: {  	_ =	swait.ge [sflag:s19], $0x50  }
0x89: {  	[sflag:s19] =	ssyncset.done $0x0  }
0x8a: {  	[sflag:s19] =	ssyncadd.s32 $0xFFFFFFB0  }
0x8b: {  	[tilespmem:s24], [sflag:$0x3] =	stream.linear.gather [hbm4b:s14+s3], $0x50, $0x38;
	[tilespmem:$0x19200] =	vst v63  }
0x8c: {  	_ =	swait.ge [sflag:s19], $0x50  }
0x8d: {  	[sflag:s19] =	ssyncset.done $0x0  }
0x8e: {  	[sflag:s19] =	ssyncadd.s32 $0xFFFFFFB0  }
0x8f: {  	[tilespmem:s25], [sflag:$0x2] =	stream.indirect.gather [hbm4b:s6+s21], $0x80, s23, s21, $0xb8;
	[tilespmem:$0x19200] =	vst v63  }
0x90: {  	_ =	swait.ge [sflag:s26], $0x2800  }
0x91: {  	[sflag:s26] =	ssyncset.done $0x0  }
0x92: {  	[sflag:s26] =	ssyncadd.s32 $0xFFFFD800  }
0x93: {  	[spmem:s1] =	stream.indirect.scatter.add.f32 [tilespmem:s22], [sflag:$0x3], $0x80, s20, s21, $0xb8;
	[tilespmem:$0x19200] =	vst v63  }
0x94: {  	_ =	swait.ge [sflag:s19], $0x2800  }
0x95: {  	[sflag:s19] =	ssyncset.done $0x0  }
0x96: {  	[sflag:s19] =	ssyncadd.s32 $0xFFFFD800  }
0x97: {  	_ =	swait.ge [sflag:s28], $0x2800  }
0x98: {  	[sflag:s28] =	ssyncset.done $0x0  }
0x99: {  	[sflag:s28] =	ssyncadd.s32 $0xFFFFD800  }
0x9a: {  	[spmem:s1] =	stream.indirect.scatter.add.f32 [tilespmem:s25], [sflag:$0x3], $0x80, s24, s21, $0xb8;
	[tilespmem:$0x19200] =	vst v63  }
0x9b: {  	_ =	swait.ge [sflag:s19], $0x2800  }
0x9c: {  	s29 =	sadd.s32 $0x1, s29;
	[sflag:s19] =	ssyncset.done $0x0  }
0x9d: {  	p0 =	sne.s32 s29, s12;
	[sflag:s19] =	ssyncadd.s32 $0xFFFFD800  }
.Ltmp1:
0x9e: {  	[bflag:$0x0] =	sbarrier.arrive $0xFFFF;
	(pc) =	sbr.rel @p0 .LBB2_1-.Ltmp1, $4  }
0x9f: {  	[hbm:s11], [sflag:s8] =	dma.local [spmem:s18], $0x2800  }
0xa0: {  	_ =	swait.ge [sflag:s19], $0x2800  }
0xa1: {  	[sflag:s19] =	ssyncset.done $0x0  }
0xa2: {  	[sflag:s19] =	ssyncadd.s32 $0xFFFFD800  }
0xa3: {  	_ =	sfence.sel $0x180000  }
0xa4: {  	[bflag:$0x0] =	sbarrier.arrive $0xFFFF  }
0xa5: {  	_ =	strace $0x9000004A  }
0xa6: {  	s0 =	stileid.u32;
	[bflag:$0x2] =	sbarrier.arrive $0xFFFF  }
0xa7: {  	p0 =	sne.s32 s0, $0x0;
	s0 =	rddreg [dreg:$0x2]  }
0xa8: {  	s0 =	sadd.s32 @!p0 $0x100000, s0  }
0xa9: {  	[sflag:s0] =	ssyncadd.tile.s32 @!p0 $0x1;
	_ =	shalt  }
.Lfunc_end2:
_tile_overlayer_lowered:
.L_overlay_start_2:
0xaa: {  	(tag) =	ssettag $0x2  }
0xab: {  	s0 =	rddreg [dreg:$0x0];
	s2 =	stileid.u32  }
0xac: {  	s1 =	rddreg [dreg:$0x1];
	p0 =	sne.s32 s2, $0x0  }
0xad: {  	s3 =	rddreg [dreg:$0x2];
	[bflag:$0x3] =	sbarrier.arrive $0xFFFF;
	s2 =	simm.s32 @!p0 $0x1C03  }
0xae: {  	[timem:s3], [sflag:s2] =	dma.local @!p0 [hbm:s0], s1  }
0xaf: {  	s0 =	simm.s32 @!p0 $0x3  }
0xb0: {  	_ =	swait.ge @!p0 [sflag:s0], s1  }
0xb1: {  	s1 =	ssub.s32 @!p0 $0x0, s1;
	[sflag:s0] =	ssyncset.done @!p0 $0x0  }
0xb2: {  	[sflag:s0] =	ssyncadd.s32 @!p0 s1  }
0xb3: {  	[bflag:$0x3] =	sbarrier.arrive $0xFFFF  }
0xb4: {  	_ =	shalt  }

// kernel: kernel.18.cloned.1.call-start
scs
__scs_entry_jumppad:
0x0: {  	(pc) =	sbr.rel $0x88, $3  }
0x1: {  	(tag) =	ssettag $0x0;
	lr =	simm.s32 $0x1  }
0x2: {  	[smem:$0x3F8A] =	sst lr;
	_ =	strace $0xD0000000  }
0x3: {  	_ = 	snop  }
0x4: {  	_ = 	snop  }
0x5: {  	_ = 	snop  }
0x6: {  	_ = 	snop  }
0x7: {  	_ = 	snop  }
__scs_overlays_trampoline_lowered:
0x8: {  	[smem:$0x3F99] =	sst s0  }
0x9: {  	[smem:$0x3F9A] =	sst s1  }
0xa: {  	[smem:$0x3F9B] =	sst s2  }
0xb: {  	[smem:$0x3F9C] =	sst s3  }
0xc: {  	[smem:$0x3F9D] =	sst s4  }
0xd: {  	[smem:$0x3F9E] =	sst s5  }
0xe: {  	[smem:$0x3F9F] =	sst s6  }
0xf: {  	[smem:$0x3FA0] =	sst s7  }
0x10: {  	[smem:$0x3FA1] =	sst s8  }
0x11: {  	[smem:$0x3FA2] =	sst s9;
	s0 =	simm.s32 @!p0 $0x0  }
0x12: {  	s1 =	sld [smem:$0x3F88];
	s0 =	simm.s32 @p0 $0x1  }
0x13: {  	[smem:$0x3FA3] =	sst s0;
	s0 =	simm.s32 @!p1 $0x0  }
0x14: {  	s2 =	sld [smem:$0x3F87];
	s0 =	simm.s32 @p1 $0x1  }
0x15: {  	[smem:$0x3FA4] =	sst s0;
	s0 =	simm.s32 @!p2 $0x0  }
0x16: {  	s3 =	sld [smem:$0x3FDB];
	s0 =	simm.s32 @p2 $0x1  }
0x17: {  	s4 =	simm.s32 $0x1BF5;
	[smem:$0x3FA6] =	sst s0  }
0x18: {  	s0 =	sld [smem:$0x3F89];
	_ =	swait.ge [sflag:s4], $0x0  }
0x19: {  	s7 =	sld [smem:$0x3F8A]  }
0x1a: {  	s8 =	sadd.s32 $0xFFFFE003, lr  }
0x1b: {  	s9 =	sadd.s32 $0xFFFFFEF7, lr;
	s5 =	simm.s32 $0xFFFFFFFF;
	p2 =	slt.u32 s8, $0xFFFFF086  }
0x1c: {  	p1 =	slt.u32 s9, $0xF7A;
	s5 =	simm.s32 @!p2 $0x0  }
0x1d: {  	s5 =	simm.s32 @p1 $0x1;
	p0 =	seq.s32 s7, s2  }
0x1e: {  	s7 =	smul.u32 @!p0 $0xF7A, s2;
	p2 =	seq.s32 @!p0 s5, $0x0  }
0x1f: {  	s9 =	smul.u32 $0xF7A, s1;
	s8 =	simm.s32 @!p0 $0x1BF5;
	p2 =	por !p2, p0  }
0x20: {  	[sflag:s8] =	ssyncset.s32 @!p0 $0xFFFFF086;
	s6 =	sadd.s32 @!p0 s3, s7;
	s7 =	simm.s32 @!p0 $0x108  }
0x21: {  	s3 =	sadd.s32 s3, s9;
	s6 =	sadd.s32 @!p0 $0x88, s6;
	s7 =	simm.s32 @p2 $0x1082  }
0x22: {  	[simem:s7], [sflag:s8] =	dma.local @!p0 [hbm:s6], $0xF7A  }
0x23: {  	s9 =	sor.u32 $0xD0000000, s2;
	s6 =	simm.s32 $0x108;
	_ =	swait.ge @!p0 [sflag:s8], $0x0  }
0x24: {  	s3 =	sadd.s32 $0x88, s3;
	s6 =	simm.s32 @!p1 $0x1082;
	[sflag:s4] =	ssyncset.s32 $0xFFFFF086  }
0x25: {  	[simem:s6], [sflag:s4] =	dma.local [hbm:s3], $0xF7A  }
0x26: {  	[smem:$0x3F8A] =	sst s1;
	(tag) =	ssettag s2;
	_ =	strace s9  }
0x27: {  	s1 =	sld [smem:$0x3F9A]  }
0x28: {  	s2 =	sld [smem:$0x3F9B]  }
0x29: {  	s4 =	sld [smem:$0x3F9D]  }
0x2a: {  	p0 =	seq.s32 s5, $0x0;
	s5 =	sld [smem:$0x3F9E]  }
0x2b: {  	s6 =	sld [smem:$0x3F9F]  }
0x2c: {  	s7 =	sld [smem:$0x3FA0]  }
0x2d: {  	s3 =	simm.s32 $0x108;
	s8 =	sld [smem:$0x3FA1]  }
0x2e: {  	s3 =	simm.s32 @!p0 $0x1082;
	s9 =	sld [smem:$0x3FA2]  }
0x2f: {  	lr =	sadd.s32 s0, s3;
	s0 =	sld [smem:$0x3F99]  }
0x30: {  	s3 =	sld [smem:$0x3F9C]  }
0x31: {  	[smem:$0x3FA5] =	sst s10  }
0x32: {  	s10 =	sld [smem:$0x3FA3];
	_ =	sdelay $0x3  }
0x33: {  	p0 =	seq.s32 s10, $0x1;
	s10 =	sld [smem:$0x3FA5];
	_ =	sdelay $0x3  }
0x34: {  	[smem:$0x3FA5] =	sst s10  }
0x35: {  	s10 =	sld [smem:$0x3FA4];
	_ =	sdelay $0x3  }
0x36: {  	p1 =	seq.s32 s10, $0x1;
	s10 =	sld [smem:$0x3FA5];
	_ =	sdelay $0x3  }
0x37: {  	[smem:$0x3FA5] =	sst s10  }
0x38: {  	s10 =	sld [smem:$0x3FA6]  }
0x39: {  	_ = 	snop;
	(pc) =	sbr.ind lr, $3  }
0x3a: {  	_ = 	snop  }
0x3b: {  	_ = 	snop  }
0x3c: {  	p2 =	seq.s32 s10, $0x1;
	s10 =	sld [smem:$0x3FA5]  }
0x3d: {  	_ =	shalt  }
0x3e: {  	_ =	shalt  }
0x3f: {  	_ =	shalt  }
0x40: {  	_ =	shalt  }
0x41: {  	_ =	shalt  }
0x42: {  	_ =	shalt  }
0x43: {  	_ =	shalt  }
0x44: {  	_ =	shalt  }
0x45: {  	_ =	shalt  }
0x46: {  	_ =	shalt  }
0x47: {  	_ =	shalt  }
0x48: {  	_ =	shalt  }
0x49: {  	_ =	shalt  }
0x4a: {  	_ =	shalt  }
0x4b: {  	_ =	shalt  }
0x4c: {  	_ =	shalt  }
0x4d: {  	_ =	shalt  }
0x4e: {  	_ =	shalt  }
0x4f: {  	_ =	shalt  }
0x50: {  	_ =	shalt  }
0x51: {  	_ =	shalt  }
0x52: {  	_ =	shalt  }
0x53: {  	_ =	shalt  }
0x54: {  	_ =	shalt  }
0x55: {  	_ =	shalt  }
0x56: {  	_ =	shalt  }
0x57: {  	_ =	shalt  }
0x58: {  	_ =	shalt  }
0x59: {  	_ =	shalt  }
0x5a: {  	_ =	shalt  }
0x5b: {  	_ =	shalt  }
0x5c: {  	_ =	shalt  }
0x5d: {  	_ =	shalt  }
0x5e: {  	_ =	shalt  }
0x5f: {  	_ =	shalt  }
0x60: {  	_ =	shalt  }
0x61: {  	_ =	shalt  }
0x62: {  	_ =	shalt  }
0x63: {  	_ =	shalt  }
0x64: {  	_ =	shalt  }
0x65: {  	_ =	shalt  }
0x66: {  	_ =	shalt  }
0x67: {  	_ =	shalt  }
0x68: {  	_ =	shalt  }
0x69: {  	_ =	shalt  }
0x6a: {  	_ =	shalt  }
0x6b: {  	_ =	shalt  }
0x6c: {  	_ =	shalt  }
0x6d: {  	_ =	shalt  }
0x6e: {  	_ =	shalt  }
0x6f: {  	_ =	shalt  }
0x70: {  	_ =	shalt  }
0x71: {  	_ =	shalt  }
0x72: {  	_ =	shalt  }
0x73: {  	_ =	shalt  }
0x74: {  	_ =	shalt  }
0x75: {  	_ =	shalt  }
0x76: {  	_ =	shalt  }
0x77: {  	_ =	shalt  }
0x78: {  	_ =	shalt  }
0x79: {  	_ =	shalt  }
0x7a: {  	_ =	shalt  }
0x7b: {  	_ =	shalt  }
0x7c: {  	_ =	shalt  }
0x7d: {  	_ =	shalt  }
0x7e: {  	_ =	shalt  }
0x7f: {  	_ =	shalt  }
0x80: {  	_ =	shalt  }
0x81: {  	_ =	shalt  }
0x82: {  	_ =	shalt  }
0x83: {  	_ =	shalt  }
0x84: {  	_ =	shalt  }
0x85: {  	_ =	shalt  }
0x86: {  	_ =	shalt  }
0x87: {  	_ =	shalt  }
.Lfunc_end0:
.L_simem_size_0:
called_computation.2_lowered:
.L_overlay_start_0:
0x88: {  	s2 =	sld [smem:$0x3FD9]  }
0x89: {  	s3 =	sld [smem:$0x3FFE];
	_ =	sdelay $0x1  }
0x8a: {  	s1 =	srdreg.scid  }
0x8b: {  	s0 =	sand.u32 $0x1, s1  }
0x8c: {  	s16 =	sshll.u32 s0, $0xA;
	s2 =	sadd.s32 s3, s2  }
0x8d: {  	s2 =	sadd.s32 s2, s16  }
0x8e: {  	[smem:$0x3FB1] =	sst s2  }
0x8f: {  	_ = 	snop  }
0x90: {  	(tm) =	ssettm $0x1  }
0x91: {  	s17 =	sld [smem:$0x3FFB];
	_ =	sdelay $0x3  }
0x92: {  	_ =	strace s17  }
0x93: {  	s2 =	sld [smem:$0x3FFC];
	_ =	sdelay $0x3  }
0x94: {  	_ =	strace s2  }
0x95: {  	s2 =	sld [smem:$0x3FFD];
	_ =	sdelay $0x3  }
0x96: {  	_ =	strace s2  }
0x97: {  	_ =	strace $0x8FFFFFFF  }
0x98: {  	s18 =	sld [smem:$0x3FDB];
	_ =	sdelay $0x1  }
0x99: {  	s19 =	simm.s32 $_scs_section_size  }
0x9a: {  	s4 =	simm.s32 $_size__tile_overlayer_lowered;
	s5 =	simm.s32 $_tile_overlayer_lowered  }
0x9b: {  	s22 =	simm.s32 $0x1BFF;
	s21 =	sshll.u32 s5, $0x1;
	s2 =	sadd.s32 s19, s18  }
0x9c: {  	s6 =	simm.s32 $0x0;
	s20 =	sshll.u32 s4, $0x1;
	s4 =	sadd.s32 s21, s2  }
0x9d: {  	[timem:s6], [sflag:s22] =	dma.local [hbm:s4], s20  }
0x9e: {  	_ =	swait.ge [sflag:s22], s20  }
0x9f: {  	s3 =	ssub.s32 $0x0, s20;
	[sflag:s22] =	ssyncset.done $0x0  }
0xa0: {  	[sflag:s22] =	ssyncadd.s32 s3;
	_ =	sdelay $0x1  }
0xa1: {  	s23 =	simm.s32 $0x1B8B  }
0xa2: {  	_ =	swait.ge [sflag:s23], $0x1  }
0xa3: {  	[sflag:s23] =	ssyncset.done $0x0  }
0xa4: {  	s25 =	simm.s32 $0x1B8E;
	s24 =	sld [smem:$0x3FFE];
	[sflag:s23] =	ssyncadd.s32 $0xFFFFFFFF  }
0xa5: {  	s26 =	simm.s32 $execute0_lowered;
	[smem:$0x3FD2] =	sst s25  }
0xa6: {  	s4 =	sshll.u32 s26, $0x1;
	_ =	strace $0x8000004C;
	[dreg:$0x1] =	wrdreg $0xFFFFFFFF  }
0xa7: {  	s28 =	simm.s32 $_size_execute0_lowered;
	s2 =	sadd.s32 s2, s4;
	[dreg:$0x0] =	wrdreg $0x0  }
0xa8: {  	s4 =	sshll.u32 s28, $0x1;
	[dreg:$0x2] =	wrdreg s2  }
0xa9: {  	[dreg:$0x3] =	wrdreg s4  }
0xaa: {  	[dreg:$0x4] =	wrdreg $0xC0  }
0xab: {  	_ =	task [dreg:s6], $0x5FFFF  }
0xac: {  	[dreg:$0x1] =	wrdreg $0xFFFFFFFF  }
0xad: {  	[dreg:$0x0] =	wrdreg $0x60  }
0xae: {  	[dreg:$0x2] =	wrdreg s24  }
0xaf: {  	[dreg:$0x3] =	wrdreg $0x52000  }
0xb0: {  	[dreg:$0x4] =	wrdreg $0x9  }
0xb1: {  	_ =	task.clear_ibuf [dreg:s6], $0x5FFFF;
	_ =	strace $0x9000004C  }
0xb2: {  	s29 =	simm.s32 $0x9;
	_ =	strace $0x8000004E  }
0xb3: {  	_ =	swait.ge [sflag:s29], $0x1  }
0xb4: {  	[sflag:s29] =	ssyncadd.s32 $0xFFFFFFFF  }
0xb5: {  	_ =	strace $0x9000004E  }
0xb6: {  	_ =	sfence  }
0xb7: {  	s30 =	sld [smem:$0x0];
	_ =	sdelay $0x2  }
0xb8: {  	s31 =	sshll.u32 s1, $0xD;
	s1 =	sshrl.u32 s1, $0x2  }
0xb9: {  	s3 =	sand.u32 $0x4000, s31;
	s1 =	sadd.s32 s1, s30  }
0xba: {  	s0 =	sor.u32 s3, s0;
	s1 =	sshll.u32 s1, $0x11  }
0xbb: {  	s0 =	sor.u32 s1, s0  }
0xbc: {  	s0 =	sadd.s32 $0x8F2B, s0  }
0xbd: {  	[sflag:s0] =	ssyncadd.remote.s32 $0x1  }
0xbe: {  	_ =	sfence.sel $0xFFFF  }
0xbf: {  	[dreg:$0x0] =	wrdreg $0xFFFFFFFF;
	(pc) =	sbr.abs _section_cstart, $3  }
0xc0: {  	[dreg:$0x1] =	wrdreg $0xFFFFFFFF  }
0xc1: {  	_ =	task.clear_ibuf [dreg:s6], $0x2FFFF;
	_ =	strace $0x9FFFFFFF  }
0xc2: {  	(tm) =	ssettm $0x7FFFFFFF  }
0xc3: {  	_ =	shalt  }
tec
execute0_lowered:
.L_overlay_start_1:
0x0: {  	(tag) =	ssettag $0x1  }
0x1: {  	s0 =	rddreg [dreg:$0x0]  }
0x2: {  	s1 =	rddreg [dreg:$0x1];
	s3 =	simm.s32 $0x0  }
0x3: {  	s2 =	srdreg.scid;
	s7 =	stileid.u32;
	s19 =	simm.s32 $0x3  }
0x4: {  	s20 =	simm.s32 $0x80;
	s21 =	simm.s32 $0x50;
	s28 =	simm.s32 $0x2  }
0x5: {  	s29 =	simm.s32 $0x0;
	[smem:$0x7FF] =	sst s3;
	s9 =	smul.u32 $0x14000, s7  }
0x6: {  	s2 =	sand.u32 $0x1, s2;
	s4 =	sadd.s32 $0x10400, s0;
	s11 =	smul.u32 $0x50000, s7  }
0x7: {  	s5 =	sadd.s32 $0x6600, s0;
	s6 =	sadd.s32 $0x1CA00, s0;
	s26 =	smul.u32 $0x2760, s7  }
0x8: {  	s10 =	sadd.s32 $0x1A200, s0;
	s25 =	sshll.u32 s7, $0x6;
	s8 =	smul.u32 $0x140000, s2  }
0x9: {  	_ =	strace $0x8000004D;
	[dreg:$0x3] =	wrdreg s10;
	s23 =	ssub.s32 $0x2, s2  }
0xa: {  	s22 =	sshll.u32 s2, $0x4;
	s2 =	smul.u32 $0x27600, s2;
	s12 =	sshrl.u32 s23, $0x1  }
0xb: {  	s24 =	sshrl.u32 s11, $0x2;
	s8 =	sadd.s32 s9, s8;
	s9 =	sor.u32 s7, s22  }
0xc: {  	s12 =	ssub.s32 s23, s12;
	s18 =	sadd.s32 s24, s1;
	s2 =	sadd.s32 s26, s2  }
0xd: {  	s22 =	simm.s32 $0x200;
	s23 =	simm.s32 $0x100;
	s24 =	simm.s32 $0x180  }
0xe: {  	s26 =	simm.s32 $0x1;
	s8 =	sshrl.u32 s8, $0x3;
	s9 =	smul.u32 $0x2760, s9  }
0xf: {  	s14 =	sadd.s32 $0x50, s2;
	s12 =	smax.u32 s12, $0x1;
	s15 =	sadd.s32 $0xA0, s2  }
0x10: {  	s18 =	sshrl.u32 s18, $0x3;
	s0 =	sadd.s32 s8, s0;
	s8 =	sor.u32 $0x1C03, s25  }
0x11: {  	s17 =	sshrl.u32 s14, $0x3;
	s25 =	simm.s32 $0x2A00;
	s13 =	sshrl.u32 s9, $0x3  }
0x12: {  	s11 =	sadd.s32 $0x43C00, s0;
	s16 =	sadd.s32 s17, s5;
	s17 =	sadd.s32 s17, s4  }
0x13: {  	s30 =	sadd.s32 s4, s13;
	s10 =	sadd.s32 s5, s13;
	s31 =	sadd.s32 $0x4E2, s13  }
0x14: {  	[dreg:$0x4] =	wrdreg s30;
	s13 =	sadd.s32 s4, s31;
	s14 =	sadd.s32 s5, s31  }
.LBB2_1:
0x15: {  	s0 =	rddreg [dreg:$0x3]  }
0x16: {  	[spmem:s18], [sflag:s8] =	dma.local [hbm:s0], $0x2800  }
0x17: {  	_ =	swait.ge [sflag:s19], $0x2800  }
0x18: {  	[sflag:s19] =	ssyncset.done $0x0  }
0x19: {  	[sflag:s19] =	ssyncadd.s32 $0xFFFFD800  }
0x1a: {  	[bflag:$0x0] =	sbarrier.arrive $0xFFFF  }
0x1b: {  	s9 =	rddreg [dreg:$0x4]  }
0x1c: {  	[tilespmem:s3], [sflag:$0x3] =	stream.linear.gather [hbm4b:s9+s3], $0x50, $0x38;
	[tilespmem:$0x19200] =	vst v63  }
0x1d: {  	_ =	swait.ge [sflag:s19], $0x50  }
0x1e: {  	[sflag:s19] =	ssyncset.done $0x0  }
0x1f: {  	[sflag:s19] =	ssyncadd.s32 $0xFFFFFFB0  }
0x20: {  	[tilespmem:s20], [sflag:$0x3] =	stream.linear.gather [hbm4b:s10+s3], $0x50, $0x38;
	[tilespmem:$0x19200] =	vst v63  }
0x21: {  	_ =	swait.ge [sflag:s19], $0x50  }
0x22: {  	[sflag:s19] =	ssyncset.done $0x0  }
0x23: {  	[sflag:s19] =	ssyncadd.s32 $0xFFFFFFB0  }
0x24: {  	[tilespmem:s22], [sflag:$0x1] =	stream.indirect.gather [hbm4b:s6+s21], $0x80, s3, s21, $0xb8;
	[tilespmem:$0x19200] =	vst v63  }
0x25: {  	s2 =	sadd.s32 $0x0, s17  }
0x26: {  	[tilespmem:s23], [sflag:$0x3] =	stream.linear.gather [hbm4b:s2+s3], $0x50, $0x38;
	[tilespmem:$0x19200] =	vst v63  }
0x27: {  	_ =	swait.ge [sflag:s19], $0x50  }
0x28: {  	[sflag:s19] =	ssyncset.done $0x0  }
0x29: {  	s7 =	sadd.s32 $0x0, s16;
	[sflag:s19] =	ssyncadd.s32 $0xFFFFFFB0  }
0x2a: {  	[tilespmem:s24], [sflag:$0x3] =	stream.linear.gather [hbm4b:s7+s3], $0x50, $0x38;
	[tilespmem:$0x19200] =	vst v63  }
0x2b: {  	_ =	swait.ge [sflag:s19], $0x50  }
0x2c: {  	[sflag:s19] =	ssyncset.done $0x0  }
0x2d: {  	[sflag:s19] =	ssyncadd.s32 $0xFFFFFFB0  }
0x2e: {  	[tilespmem:s25], [sflag:$0x2] =	stream.indirect.gather [hbm4b:s6+s21], $0x80, s23, s21, $0xb8;
	[tilespmem:$0x19200] =	vst v63  }
0x2f: {  	_ =	swait.ge [sflag:s26], $0x2800  }
0x30: {  	[sflag:s26] =	ssyncset.done $0x0  }
0x31: {  	[sflag:s26] =	ssyncadd.s32 $0xFFFFD800  }
0x32: {  	[spmem:s1] =	stream.indirect.scatter.add.f32 [tilespmem:s22], [sflag:$0x3], $0x80, s20, s21, $0xb8;
	[tilespmem:$0x19200] =	vst v63  }
0x33: {  	_ =	swait.ge [sflag:s19], $0x2800  }
0x34: {  	s9 =	sshrl.u32 s15, $0x3;
	[sflag:s19] =	ssyncset.done $0x0  }
0x35: {  	s2 =	sadd.s32 s4, s9;
	[sflag:s19] =	ssyncadd.s32 $0xFFFFD800  }
0x36: {  	[tilespmem:s3], [sflag:$0x3] =	stream.linear.gather [hbm4b:s2+s3], $0x50, $0x38;
	[tilespmem:$0x19200] =	vst v63  }
0x37: {  	_ =	swait.ge [sflag:s19], $0x50  }
0x38: {  	[sflag:s19] =	ssyncset.done $0x0  }
0x39: {  	s0 =	sadd.s32 s5, s9;
	[sflag:s19] =	ssyncadd.s32 $0xFFFFFFB0  }
0x3a: {  	[tilespmem:s20], [sflag:$0x3] =	stream.linear.gather [hbm4b:s0+s3], $0x50, $0x38;
	[tilespmem:$0x19200] =	vst v63  }
0x3b: {  	_ =	swait.ge [sflag:s19], $0x50  }
0x3c: {  	[sflag:s19] =	ssyncset.done $0x0  }
0x3d: {  	[sflag:s19] =	ssyncadd.s32 $0xFFFFFFB0  }
0x3e: {  	[tilespmem:s22], [sflag:$0x1] =	stream.indirect.gather [hbm4b:s6+s21], $0x80, s3, s21, $0xb8;
	[tilespmem:$0x19200] =	vst v63  }
0x3f: {  	_ =	swait.ge [sflag:s28], $0x2800  }
0x40: {  	[sflag:s28] =	ssyncset.done $0x0  }
0x41: {  	[sflag:s28] =	ssyncadd.s32 $0xFFFFD800  }
0x42: {  	[spmem:s1] =	stream.indirect.scatter.add.f32 [tilespmem:s25], [sflag:$0x3], $0x80, s24, s21, $0xb8;
	[tilespmem:$0x19200] =	vst v63  }
0x43: {  	s31 =	simm.s32 $0x14;
	_ =	swait.ge [sflag:s19], $0x2800  }
0x44: {  	s30 =	sadd.s32 $0xA0, s15;
	s0 =	simm.s32 $0x28;
	[sflag:s19] =	ssyncset.done $0x0  }
.LBB2_2:
0x45: {  	s7 =	sadd.s32 s31, s17  }
0x46: {  	[sflag:s19] =	ssyncadd.s32 $0xFFFFD800;
	s9 =	smov.u32 s0;
	s2 =	sadd.s32 $0x14, s0  }
0x47: {  	[tilespmem:s23], [sflag:$0x3] =	stream.linear.gather [hbm4b:s7+s3], $0x50, $0x38;
	[tilespmem:$0x19200] =	vst v63  }
0x48: {  	p0 =	sne.s32 s0, $0x4C4;
	_ =	swait.ge [sflag:s19], $0x50  }
0x49: {  	[sflag:s19] =	ssyncset.done $0x0  }
0x4a: {  	s0 =	sadd.s32 s31, s16;
	s31 =	smov.u32 s9;
	[sflag:s19] =	ssyncadd.s32 $0xFFFFFFB0  }
0x4b: {  	[tilespmem:s24], [sflag:$0x3] =	stream.linear.gather [hbm4b:s0+s3], $0x50, $0x38;
	[tilespmem:$0x19200] =	vst v63  }
0x4c: {  	_ =	swait.ge [sflag:s19], $0x50  }
0x4d: {  	[sflag:s19] =	ssyncset.done $0x0  }
0x4e: {  	[sflag:s19] =	ssyncadd.s32 $0xFFFFFFB0  }
0x4f: {  	[tilespmem:s25], [sflag:$0x2] =	stream.indirect.gather [hbm4b:s6+s21], $0x80, s23, s21, $0xb8;
	[tilespmem:$0x19200] =	vst v63  }
0x50: {  	_ =	swait.ge [sflag:s26], $0x2800  }
0x51: {  	[sflag:s26] =	ssyncset.done $0x0  }
0x52: {  	[sflag:s26] =	ssyncadd.s32 $0xFFFFD800  }
0x53: {  	[spmem:s1] =	stream.indirect.scatter.add.f32 [tilespmem:s22], [sflag:$0x3], $0x80, s20, s21, $0xb8;
	[tilespmem:$0x19200] =	vst v63  }
0x54: {  	_ =	swait.ge [sflag:s19], $0x2800  }
0x55: {  	s0 =	sshrl.u32 s30, $0x3;
	[sflag:s19] =	ssyncset.done $0x0  }
0x56: {  	s7 =	sadd.s32 s4, s0;
	[sflag:s19] =	ssyncadd.s32 $0xFFFFD800  }
0x57: {  	[tilespmem:s3], [sflag:$0x3] =	stream.linear.gather [hbm4b:s7+s3], $0x50, $0x38;
	[tilespmem:$0x19200] =	vst v63  }
0x58: {  	_ =	swait.ge [sflag:s19], $0x50  }
0x59: {  	[sflag:s19] =	ssyncset.done $0x0  }
0x5a: {  	s0 =	sadd.s32 s5, s0;
	[sflag:s19] =	ssyncadd.s32 $0xFFFFFFB0  }
0x5b: {  	[tilespmem:s20], [sflag:$0x3] =	stream.linear.gather [hbm4b:s0+s3], $0x50, $0x38;
	[tilespmem:$0x19200] =	vst v63  }
0x5c: {  	_ =	swait.ge [sflag:s19], $0x50  }
0x5d: {  	[sflag:s19] =	ssyncset.done $0x0  }
0x5e: {  	[sflag:s19] =	ssyncadd.s32 $0xFFFFFFB0  }
0x5f: {  	[tilespmem:s22], [sflag:$0x1] =	stream.indirect.gather [hbm4b:s6+s21], $0x80, s3, s21, $0xb8;
	[tilespmem:$0x19200] =	vst v63  }
0x60: {  	_ =	swait.ge [sflag:s28], $0x2800  }
.Ltmp0:
0x61: {  	[sflag:s28] =	ssyncset.done $0x0;
	(pc) =	sbr.rel @p0 .LBB2_2-.Ltmp0, $4  }
0x62: {  	[sflag:s28] =	ssyncadd.s32 $0xFFFFD800  }
0x63: {  	[spmem:s1] =	stream.indirect.scatter.add.f32 [tilespmem:s25], [sflag:$0x3], $0x80, s24, s21, $0xb8;
	[tilespmem:$0x19200] =	vst v63  }
0x64: {  	_ =	swait.ge [sflag:s19], $0x2800  }
0x65: {  	s30 =	sadd.s32 $0xA0, s30;
	s0 =	smov.u32 s2;
	[sflag:s19] =	ssyncset.done $0x0  }
0x66: {  	s0 =	sadd.s32 s31, s17;
	[sflag:s19] =	ssyncadd.s32 $0xFFFFD800  }
0x67: {  	[tilespmem:s23], [sflag:$0x3] =	stream.linear.gather [hbm4b:s0+s3], $0x50, $0x38;
	[tilespmem:$0x19200] =	vst v63  }
0x68: {  	_ =	swait.ge [sflag:s19], $0x50  }
0x69: {  	[sflag:s19] =	ssyncset.done $0x0  }
0x6a: {  	s9 =	sadd.s32 s31, s16;
	[sflag:s19] =	ssyncadd.s32 $0xFFFFFFB0  }
0x6b: {  	[tilespmem:s24], [sflag:$0x3] =	stream.linear.gather [hbm4b:s9+s3], $0x50, $0x38;
	[tilespmem:$0x19200] =	vst v63  }
0x6c: {  	_ =	swait.ge [sflag:s19], $0x50  }
0x6d: {  	[sflag:s19] =	ssyncset.done $0x0  }
0x6e: {  	[sflag:s19] =	ssyncadd.s32 $0xFFFFFFB0  }
0x6f: {  	[tilespmem:s25], [sflag:$0x2] =	stream.indirect.gather [hbm4b:s6+s21], $0x80, s23, s21, $0xb8;
	[tilespmem:$0x19200] =	vst v63  }
0x70: {  	_ =	swait.ge [sflag:s26], $0x2800  }
0x71: {  	[sflag:s26] =	ssyncset.done $0x0  }
0x72: {  	[sflag:s26] =	ssyncadd.s32 $0xFFFFD800  }
0x73: {  	[spmem:s1] =	stream.indirect.scatter.add.f32 [tilespmem:s22], [sflag:$0x3], $0x80, s20, s21, $0xb8;
	[tilespmem:$0x19200] =	vst v63  }
0x74: {  	_ =	swait.ge [sflag:s19], $0x2800  }
0x75: {  	s31 =	sshrl.u32 s30, $0x3;
	[sflag:s19] =	ssyncset.done $0x0  }
0x76: {  	s2 =	sadd.s32 s4, s31;
	[sflag:s19] =	ssyncadd.s32 $0xFFFFD800  }
0x77: {  	[tilespmem:s3], [sflag:$0x3] =	stream.linear.gather [hbm4b:s2+s3], $0x50, $0x38;
	[tilespmem:$0x19200] =	vst v63  }
0x78: {  	_ =	swait.ge [sflag:s19], $0x50  }
0x79: {  	[sflag:s19] =	ssyncset.done $0x0  }
0x7a: {  	s0 =	sadd.s32 s5, s31;
	[sflag:s19] =	ssyncadd.s32 $0xFFFFFFB0  }
0x7b: {  	[tilespmem:s20], [sflag:$0x3] =	stream.linear.gather [hbm4b:s0+s3], $0x50, $0x38;
	[tilespmem:$0x19200] =	vst v63  }
0x7c: {  	_ =	swait.ge [sflag:s19], $0x50  }
0x7d: {  	[sflag:s19] =	ssyncset.done $0x0  }
0x7e: {  	[sflag:s19] =	ssyncadd.s32 $0xFFFFFFB0  }
0x7f: {  	[tilespmem:s22], [sflag:$0x1] =	stream.indirect.gather [hbm4b:s6+s21], $0x80, s3, s21, $0xb8;
	[tilespmem:$0x19200] =	vst v63  }
0x80: {  	_ =	swait.ge [sflag:s28], $0x2800  }
0x81: {  	[sflag:s28] =	ssyncset.done $0x0  }
0x82: {  	[sflag:s28] =	ssyncadd.s32 $0xFFFFD800  }
0x83: {  	[spmem:s1] =	stream.indirect.scatter.add.f32 [tilespmem:s25], [sflag:$0x3], $0x80, s24, s21, $0xb8;
	[tilespmem:$0x19200] =	vst v63  }
0x84: {  	_ =	swait.ge [sflag:s19], $0x2800  }
0x85: {  	[sflag:s19] =	ssyncset.done $0x0  }
0x86: {  	[sflag:s19] =	ssyncadd.s32 $0xFFFFD800  }
0x87: {  	[tilespmem:s23], [sflag:$0x3] =	stream.linear.gather [hbm4b:s13+s3], $0x50, $0x38;
	[tilespmem:$0x19200] =	vst v63  }
0x88: {  	_ =	swait.ge [sflag:s19], $0x50  }
0x89: {  	[sflag:s19] =	ssyncset.done $0x0  }
0x8a: {  	[sflag:s19] =	ssyncadd.s32 $0xFFFFFFB0  }
0x8b: {  	[tilespmem:s24], [sflag:$0x3] =	stream.linear.gather [hbm4b:s14+s3], $0x50, $0x38;
	[tilespmem:$0x19200] =	vst v63  }
0x8c: {  	_ =	swait.ge [sflag:s19], $0x50  }
0x8d: {  	[sflag:s19] =	ssyncset.done $0x0  }
0x8e: {  	[sflag:s19] =	ssyncadd.s32 $0xFFFFFFB0  }
0x8f: {  	[tilespmem:s25], [sflag:$0x2] =	stream.indirect.gather [hbm4b:s6+s21], $0x80, s23, s21, $0xb8;
	[tilespmem:$0x19200] =	vst v63  }
0x90: {  	_ =	swait.ge [sflag:s26], $0x2800  }
0x91: {  	[sflag:s26] =	ssyncset.done $0x0  }
0x92: {  	[sflag:s26] =	ssyncadd.s32 $0xFFFFD800  }
0x93: {  	[spmem:s1] =	stream.indirect.scatter.add.f32 [tilespmem:s22], [sflag:$0x3], $0x80, s20, s21, $0xb8;
	[tilespmem:$0x19200] =	vst v63  }
0x94: {  	_ =	swait.ge [sflag:s19], $0x2800  }
0x95: {  	[sflag:s19] =	ssyncset.done $0x0  }
0x96: {  	[sflag:s19] =	ssyncadd.s32 $0xFFFFD800  }
0x97: {  	_ =	swait.ge [sflag:s28], $0x2800  }
0x98: {  	[sflag:s28] =	ssyncset.done $0x0  }
0x99: {  	[sflag:s28] =	ssyncadd.s32 $0xFFFFD800  }
0x9a: {  	[spmem:s1] =	stream.indirect.scatter.add.f32 [tilespmem:s25], [sflag:$0x3], $0x80, s24, s21, $0xb8;
	[tilespmem:$0x19200] =	vst v63  }
0x9b: {  	_ =	swait.ge [sflag:s19], $0x2800  }
0x9c: {  	s29 =	sadd.s32 $0x1, s29;
	[sflag:s19] =	ssyncset.done $0x0  }
0x9d: {  	p0 =	sne.s32 s29, s12;
	[sflag:s19] =	ssyncadd.s32 $0xFFFFD800  }
.Ltmp1:
0x9e: {  	[bflag:$0x0] =	sbarrier.arrive $0xFFFF;
	(pc) =	sbr.rel @p0 .LBB2_1-.Ltmp1, $4  }
0x9f: {  	[hbm:s11], [sflag:s8] =	dma.local [spmem:s18], $0x2800  }
0xa0: {  	_ =	swait.ge [sflag:s19], $0x2800  }
0xa1: {  	[sflag:s19] =	ssyncset.done $0x0  }
0xa2: {  	[sflag:s19] =	ssyncadd.s32 $0xFFFFD800  }
0xa3: {  	_ =	sfence.sel $0x180000  }
0xa4: {  	[bflag:$0x0] =	sbarrier.arrive $0xFFFF  }
0xa5: {  	_ =	strace $0x9000004D  }
0xa6: {  	s0 =	stileid.u32;
	[bflag:$0x2] =	sbarrier.arrive $0xFFFF  }
0xa7: {  	p0 =	sne.s32 s0, $0x0;
	s0 =	rddreg [dreg:$0x2]  }
0xa8: {  	s0 =	sadd.s32 @!p0 $0x100000, s0  }
0xa9: {  	[sflag:s0] =	ssyncadd.tile.s32 @!p0 $0x1;
	_ =	shalt  }
.Lfunc_end2:
_tile_overlayer_lowered:
.L_overlay_start_2:
0xaa: {  	(tag) =	ssettag $0x2  }
0xab: {  	s0 =	rddreg [dreg:$0x0];
	s2 =	stileid.u32  }
0xac: {  	s1 =	rddreg [dreg:$0x1];
	p0 =	sne.s32 s2, $0x0  }
0xad: {  	s3 =	rddreg [dreg:$0x2];
	[bflag:$0x3] =	sbarrier.arrive $0xFFFF;
	s2 =	simm.s32 @!p0 $0x1C03  }
0xae: {  	[timem:s3], [sflag:s2] =	dma.local @!p0 [hbm:s0], s1  }
0xaf: {  	s0 =	simm.s32 @!p0 $0x3  }
0xb0: {  	_ =	swait.ge @!p0 [sflag:s0], s1  }
0xb1: {  	s1 =	ssub.s32 @!p0 $0x0, s1;
	[sflag:s0] =	ssyncset.done @!p0 $0x0  }
0xb2: {  	[sflag:s0] =	ssyncadd.s32 @!p0 s1  }
0xb3: {  	[bflag:$0x3] =	sbarrier.arrive $0xFFFF  }
0xb4: {  	_ =	shalt  }

</sc_bundles>
